<compile_context>
chip_gen: v7x
topology: tpu7x:2x2x1
jax: 0.10.2.dev20260603
libtpu: 0.0.44.dev20260713+nightly
codegen_flags: <defaults>
</compile_context>

<pallas_src>
import functools

import jax
import jax.numpy as jnp
from jax.experimental import pallas as pl
from jax.experimental.pallas import tpu as pltpu
from jax.experimental.pallas import tpu_sc as plsc

E = 16
K = 2
H = 1024
F = 512
T = 2048
S = 2 * T
BLK = 256
NBLK = 31
P = NBLK * BLK
CK = 128
NCHUNK = 32
NW = 32
TPW = T // NW


def _pack_halves(a):
    bits = jax.lax.bitcast_convert_type(a, jnp.uint32)
    lo = (bits[:, :H // 2] + jnp.uint32(0x8000)) >> jnp.uint32(16)
    hi = (bits[:, H // 2:] + jnp.uint32(0x8000)) >> jnp.uint32(16)
    return lo | (hi << jnp.uint32(16))


def _unpack_halves(p):
    a0 = jax.lax.bitcast_convert_type(p << jnp.uint32(16), jnp.float32)
    a1 = jax.lax.bitcast_convert_type(p & jnp.uint32(0xFFFF0000), jnp.float32)
    return a0, a1


def _route_kernel(x_ref, rw_ref, tw_ref, pos0_ref, pos1_ref, be_ref, na_ref,
                  xb_ref):
    h = x_ref[...]
    xb_ref[...] = _pack_halves(h)
    logits = jax.lax.dot_general(h, rw_ref[...], (((1,), (1,)), ((), ())),
                                 preferred_element_type=jnp.float32)
    m = jnp.max(logits, axis=1, keepdims=True)
    ex = jnp.exp(logits - m)
    probs = ex / jnp.sum(ex, axis=1, keepdims=True)
    lane = jax.lax.broadcasted_iota(jnp.int32, probs.shape, 1)
    v1 = jnp.max(probs, axis=1, keepdims=True)
    i1 = jnp.min(jnp.where(probs == v1, lane, E), axis=1, keepdims=True)
    probs2 = jnp.where(lane == i1, -jnp.inf, probs)
    v2 = jnp.max(probs2, axis=1, keepdims=True)
    i2 = jnp.min(jnp.where(probs2 == v2, lane, E), axis=1, keepdims=True)
    tw_ref[...] = jnp.concatenate([v1, v2], axis=1) / (v1 + v2)

    e_flat = jnp.concatenate([i1, i2], axis=0)
    lane_s = jax.lax.broadcasted_iota(jnp.int32, (S, E), 1)
    onehot = jnp.where(e_flat == lane_s, 1.0, 0.0)

    ii = jax.lax.broadcasted_iota(jnp.int32, (CK, CK), 0)
    jj = jax.lax.broadcasted_iota(jnp.int32, (CK, CK), 1)
    ltri_b = jnp.where(jj < ii, 1.0, 0.0)
    ic = jax.lax.broadcasted_iota(jnp.int32, (NCHUNK, NCHUNK), 0)
    jc = jax.lax.broadcasted_iota(jnp.int32, (NCHUNK, NCHUNK), 1)
    ltri_c = jnp.where(jc < ic, 1.0, 0.0)

    chunks = [onehot[c * CK:(c + 1) * CK, :] for c in range(NCHUNK)]
    chunk_sums = jnp.concatenate(
        [jnp.sum(c, axis=0, keepdims=True) for c in chunks], axis=0)
    chunk_excl = jax.lax.dot_general(ltri_c, chunk_sums,
                                     (((1,), (0,)), ((), ())),
                                     preferred_element_type=jnp.float32)
    rank_parts = [
        jax.lax.dot_general(ltri_b, chunks[c], (((1,), (0,)), ((), ())),
                            preferred_element_type=jnp.float32)
        + chunk_excl[c:c + 1, :]
        for c in range(NCHUNK)
    ]
    rank = jnp.concatenate(rank_parts, axis=0)

    counts = jnp.sum(chunk_sums, axis=0, keepdims=True)
    nblk = (counts.astype(jnp.int32) + (BLK - 1)) // BLK
    je = jax.lax.broadcasted_iota(jnp.int32, (E, E), 0)
    ee = jax.lax.broadcasted_iota(jnp.int32, (E, E), 1)
    sutri = jnp.where(je < ee, 1.0, 0.0)
    blkstart = jax.lax.dot_general(nblk.astype(jnp.float32), sutri,
                                   (((1,), (0,)), ((), ())),
                                   preferred_element_type=jnp.float32)
    aligned = blkstart * float(BLK)

    dest = jnp.sum(onehot * (rank + aligned), axis=1, keepdims=True)
    dest = dest.astype(jnp.int32)
    pos0_ref[...] = dest[:T]
    pos1_ref[...] = dest[T:]

    total = jnp.sum(nblk, axis=1, keepdims=True)
    na_ref[...] = total
    iv = jax.lax.broadcasted_iota(jnp.int32, (64, E), 0)
    ieff = jnp.minimum(iv, total[0, 0] - 1)
    cnt = jnp.sum(jnp.where(blkstart.astype(jnp.int32) <= ieff, 1, 0),
                  axis=1, keepdims=True)
    be_ref[...] = jnp.clip(cnt - 1, 0, E - 1)


def _route(x2d, router_w):
    return pl.pallas_call(
        _route_kernel,
        out_shape=[
            jax.ShapeDtypeStruct((T, 2), jnp.float32),
            jax.ShapeDtypeStruct((T, 1), jnp.int32),
            jax.ShapeDtypeStruct((T, 1), jnp.int32),
            jax.ShapeDtypeStruct((64, 1), jnp.int32),
            jax.ShapeDtypeStruct((1, 1), jnp.int32),
            jax.ShapeDtypeStruct((T, H // 2), jnp.uint32),
        ],
    )(x2d, router_w)


def _sc_mesh():
    return plsc.VectorSubcoreMesh(core_axis_name="c", subcore_axis_name="s")


def _sc_dispatch(xb, pos0, pos1):

    @functools.partial(
        pl.kernel, mesh=_sc_mesh(),
        out_type=jax.ShapeDtypeStruct((P, H // 2), jnp.uint32),
        scratch_types=[
            pltpu.VMEM((TPW,), jnp.int32),
            pltpu.VMEM((TPW,), jnp.int32),
            pltpu.VMEM((TPW, H // 2), jnp.uint32),
            pltpu.SemaphoreType.DMA,
        ],
    )
    def k(x_hbm, p0_hbm, p1_hbm, xs_hbm, i0_v, i1_v, rows_v, sem):
        wid = jax.lax.axis_index("s") * 2 + jax.lax.axis_index("c")
        base = wid * TPW
        c0 = pltpu.async_copy(p0_hbm.at[pl.ds(base, TPW)], i0_v, sem)
        c1 = pltpu.async_copy(p1_hbm.at[pl.ds(base, TPW)], i1_v, sem)
        c2 = pltpu.async_copy(x_hbm.at[pl.ds(base, TPW)], rows_v, sem)
        c0.wait()
        c1.wait()
        c2.wait()
        s0 = pltpu.async_copy(rows_v, xs_hbm.at[i0_v], sem)
        s1 = pltpu.async_copy(rows_v, xs_hbm.at[i1_v], sem)
        s0.wait()
        s1.wait()

    return k(xb, pos0, pos1)


def _sc_combine_gather(ys, pos0, pos1):

    @functools.partial(
        pl.kernel, mesh=_sc_mesh(),
        out_type=(
            jax.ShapeDtypeStruct((T, H // 2), jnp.uint32),
            jax.ShapeDtypeStruct((T, H // 2), jnp.uint32),
        ),
        scratch_types=[
            pltpu.VMEM((TPW,), jnp.int32),
            pltpu.VMEM((TPW,), jnp.int32),
            pltpu.VMEM((TPW, H // 2), jnp.uint32),
            pltpu.VMEM((TPW, H // 2), jnp.uint32),
            pltpu.SemaphoreType.DMA,
            pltpu.SemaphoreType.DMA,
        ],
    )
    def k(ys_hbm, p0_hbm, p1_hbm, g0_hbm, g1_hbm, i0_v, i1_v, r0_v, r1_v,
          sem_a, sem_b):
        wid = jax.lax.axis_index("s") * 2 + jax.lax.axis_index("c")
        base = wid * TPW
        c0 = pltpu.async_copy(p0_hbm.at[pl.ds(base, TPW)], i0_v, sem_a)
        c1 = pltpu.async_copy(p1_hbm.at[pl.ds(base, TPW)], i1_v, sem_b)
        c0.wait()
        g0 = pltpu.async_copy(ys_hbm.at[i0_v], r0_v, sem_a)
        c1.wait()
        g1 = pltpu.async_copy(ys_hbm.at[i1_v], r1_v, sem_b)
        g0.wait()
        w0 = pltpu.async_copy(r0_v, g0_hbm.at[pl.ds(base, TPW)], sem_a)
        g1.wait()
        w1 = pltpu.async_copy(r1_v, g1_hbm.at[pl.ds(base, TPW)], sem_b)
        w0.wait()
        w1.wait()

    return k(ys, pos0, pos1)


def _gffn_kernel(be_ref, na_ref, xs_ref, w1_ref, w2_ref, w3_ref, out_ref):
    i = pl.program_id(0)

    @pl.when(i < na_ref[0])
    def _():
        a0, a1 = _unpack_halves(xs_ref[...])
        w1e = w1_ref[0]
        w3e = w3_ref[0]
        dn = (((1,), (1,)), ((), ()))
        y1 = (jax.lax.dot_general(a0, w1e[:, :H // 2], dn,
                                  preferred_element_type=jnp.float32)
              + jax.lax.dot_general(a1, w1e[:, H // 2:], dn,
                                    preferred_element_type=jnp.float32))
        y1 = y1 * (1.0 / (1.0 + jnp.exp(-y1)))
        y3 = (jax.lax.dot_general(a0, w3e[:, :H // 2], dn,
                                  preferred_element_type=jnp.float32)
              + jax.lax.dot_general(a1, w3e[:, H // 2:], dn,
                                    preferred_element_type=jnp.float32))
        yo = jax.lax.dot_general(y1 * y3, w2_ref[0], dn,
                                 preferred_element_type=jnp.float32)
        out_ref[...] = _pack_halves(yo)


def _gffn(be, na, xs, w1, w2, w3):
    grid_spec = pltpu.PrefetchScalarGridSpec(
        num_scalar_prefetch=2,
        grid=(NBLK,),
        in_specs=[
            pl.BlockSpec((BLK, H // 2), lambda i, be, na: (i, 0)),
            pl.BlockSpec((1, F, H), lambda i, be, na: (be[i], 0, 0)),
            pl.BlockSpec((1, H, F), lambda i, be, na: (be[i], 0, 0)),
            pl.BlockSpec((1, F, H), lambda i, be, na: (be[i], 0, 0)),
        ],
        out_specs=pl.BlockSpec((BLK, H // 2), lambda i, be, na: (i, 0)),
    )
    return pl.pallas_call(
        _gffn_kernel,
        grid_spec=grid_spec,
        out_shape=jax.ShapeDtypeStruct((P, H // 2), jnp.uint32),
    )(be, na, xs, w1, w2, w3)


def _combine_kernel(tw_ref, g0_ref, g1_ref, out_ref):
    tw = tw_ref[...]
    w0 = tw[:, 0:1]
    w1 = tw[:, 1:2]
    g0a, g0b = _unpack_halves(g0_ref[...])
    g1a, g1b = _unpack_halves(g1_ref[...])
    out_ref[...] = jnp.concatenate(
        [w0 * g0a + w1 * g1a, w0 * g0b + w1 * g1b], axis=1)


def _combine(tw, g0, g1):
    n = 8
    rb = T // n
    return pl.pallas_call(
        _combine_kernel,
        grid=(n,),
        in_specs=[
            pl.BlockSpec((rb, 2), lambda i: (i, 0)),
            pl.BlockSpec((rb, H // 2), lambda i: (i, 0)),
            pl.BlockSpec((rb, H // 2), lambda i: (i, 0)),
        ],
        out_specs=pl.BlockSpec((rb, H), lambda i: (i, 0)),
        out_shape=jax.ShapeDtypeStruct((T, H), jnp.float32),
    )(tw, g0, g1)


def kernel(x, router_w, w1, w2, w3):
    x2d = x.reshape(-1, H)
    tw, pos0, pos1, be, na, xb = _route(x2d, router_w)
    pos0 = pos0.reshape(-1)
    pos1 = pos1.reshape(-1)
    xs = _sc_dispatch(xb, pos0, pos1)
    ys = _gffn(be.reshape(-1), na.reshape(-1), xs, w1, w2, w3)
    g0, g1 = _sc_combine_gather(ys, pos0, pos1)
    out = _combine(tw, g0, g1)
    return out.reshape(x.shape)

# --- scband reference (transcript-rebuilt; emitter-appended) ---
"""Pipeline reference for scband-moefeed-forward-aoquantizable-41308995453482 (READ-ONLY COPY).

The authoritative reference and input builder live on the scoring server;
editing this copy changes nothing except your own understanding.
"""

import jax, jax.numpy as jnp
import numpy as np

NUM_EXPERTS = 16
TOP_K = 2
HIDDEN = 1024
EXPERT = 512


def setup_inputs(seed: int = 0) -> dict:
    key = jax.random.key(seed)
    k1, k2, k3, k4, k5 = jax.random.split(key, 5)
    x = jax.random.normal(k1, (1, 2048, HIDDEN), dtype=jnp.float32)
    router_w = jax.random.normal(k2, (NUM_EXPERTS, HIDDEN), dtype=jnp.float32) * 0.02
    w1 = jax.random.normal(k3, (NUM_EXPERTS, EXPERT, HIDDEN), dtype=jnp.float32) * 0.02
    w2 = jax.random.normal(k4, (NUM_EXPERTS, HIDDEN, EXPERT), dtype=jnp.float32) * 0.02
    w3 = jax.random.normal(k5, (NUM_EXPERTS, EXPERT, HIDDEN), dtype=jnp.float32) * 0.02
    return {"x": x, "router_w": router_w, "w1": w1, "w2": w2, "w3": w3}


def reference(x, router_w, w1, w2, w3):
    batch = x.shape[0]
    h = x.reshape(-1, HIDDEN)
    T = h.shape[0]
    # router: linear (no bias) -> softmax -> top_k -> renormalize
    logits = h @ router_w.T
    probs = jax.nn.softmax(logits, axis=-1)
    top_vals, top_idx = jax.lax.top_k(probs, TOP_K)
    top_vals = top_vals / jnp.sum(top_vals, axis=-1, keepdims=True)
    # combine weights [T, E]: per-token routing weight for each expert
    # (equivalent to the torch sort/group/scatter_add dispatch-combine; topk
    # indices are distinct per token so scatter-add has no collisions)
    combine = jnp.zeros((T, NUM_EXPERTS), dtype=h.dtype).at[
        jnp.arange(T)[:, None], top_idx
    ].add(top_vals)

    def expert_ffn(w1e, w2e, w3e):
        y1 = jax.nn.silu(h @ w1e.T)
        y3 = h @ w3e.T
        return (y1 * y3) @ w2e.T

    all_out = jax.vmap(expert_ffn)(w1, w2, w3)  # [E, T, H]
    out = jnp.einsum("te,eth->th", combine, all_out)
    return out.reshape(batch, -1, HIDDEN)

if __name__ == "__main__":
    import jax
    _d = setup_inputs()
    print(jax.jit(kernel)(*tuple(_d.values())))

</pallas_src>

<mosaic_0001>
#map = affine_map<(d0, d1) -> (0, 0)>
#map1 = affine_map<(d0, d1) -> (0)>
module attributes {stable_mosaic.version = 14 : i64} {
  func.func @k(%arg0: i32, %arg1: i32, %arg2: memref<2048x512xi32, #tpu.memory_space<hbm>>, %arg3: memref<2048xi32, #tpu.memory_space<hbm>>, %arg4: memref<2048xi32, #tpu.memory_space<hbm>>, %arg5: memref<7936x512xi32, #tpu.memory_space<hbm>>, %arg6: memref<64xi32, #tpu.memory_space<vmem>>, %arg7: memref<64xi32, #tpu.memory_space<vmem>>, %arg8: memref<64x512xi32, #tpu.memory_space<vmem>>, %arg9: memref<!tpu.dma_semaphore, #tpu.memory_space<semaphore_mem>>) attributes {dimension_semantics = [#tpu.dimension_semantics<core_parallel>, #tpu.dimension_semantics<subcore_parallel>], iteration_bounds = array<i64: 2, 16>, scalar_prefetch = 0 : i64, scratch_operands = 4 : i64, tpu.core_type = #tpu.core_type<sc_vector_subcore>, window_params = [{transform_indices = #map}, {transform_indices = #map1}, {transform_indices = #map1}, {transform_indices = #map}]} {
    %mul3A = arith.constant 2 : i32
    %mul3A_0 = arith.muli %arg1, %mul3A : i32
    %add3A = arith.addi %mul3A_0, %arg0 : i32
    %mul3A_1 = arith.constant 64 : i32
    %mul3A_2 = arith.muli %add3A, %mul3A_1 : i32
    %dma_start3A = tpu.memref_slice %arg3[%mul3A_2] : memref<2048xi32, #tpu.memory_space<hbm>> -> memref<64xi32, #tpu.memory_space<hbm>>
    %dma_start3A_3 = tpu.memref_slice %arg3[%mul3A_2] : memref<2048xi32, #tpu.memory_space<hbm>> -> memref<64xi32, #tpu.memory_space<hbm>>
    tpu.enqueue_dma source(%dma_start3A_3 : memref<64xi32, #tpu.memory_space<hbm>>) target(%arg6 : memref<64xi32, #tpu.memory_space<vmem>>) target_semaphore(%arg9 : memref<!tpu.dma_semaphore, #tpu.memory_space<semaphore_mem>>)
    %dma_start3A_4 = tpu.memref_slice %arg4[%mul3A_2] : memref<2048xi32, #tpu.memory_space<hbm>> -> memref<64xi32, #tpu.memory_space<hbm>>
    %dma_start3A_5 = tpu.memref_slice %arg4[%mul3A_2] : memref<2048xi32, #tpu.memory_space<hbm>> -> memref<64xi32, #tpu.memory_space<hbm>>
    tpu.enqueue_dma source(%dma_start3A_5 : memref<64xi32, #tpu.memory_space<hbm>>) target(%arg7 : memref<64xi32, #tpu.memory_space<vmem>>) target_semaphore(%arg9 : memref<!tpu.dma_semaphore, #tpu.memory_space<semaphore_mem>>)
    %dma_start3A_6 = arith.constant 0 : i32
    %dma_start3A_7 = tpu.memref_slice %arg2[%mul3A_2, %dma_start3A_6] : memref<2048x512xi32, #tpu.memory_space<hbm>> -> memref<64x512xi32, #tpu.memory_space<hbm>>
    %dma_start3A_8 = arith.constant 0 : i32
    %dma_start3A_9 = tpu.memref_slice %arg2[%mul3A_2, %dma_start3A_8] : memref<2048x512xi32, #tpu.memory_space<hbm>> -> memref<64x512xi32, #tpu.memory_space<hbm>>
    tpu.enqueue_dma source(%dma_start3A_9 : memref<64x512xi32, #tpu.memory_space<hbm>>) target(%arg8 : memref<64x512xi32, #tpu.memory_space<vmem>>) target_semaphore(%arg9 : memref<!tpu.dma_semaphore, #tpu.memory_space<semaphore_mem>>)
    %dma_wait3A = tpu.memref_slice %arg3[%mul3A_2] : memref<2048xi32, #tpu.memory_space<hbm>> -> memref<64xi32, #tpu.memory_space<hbm>>
    %dma_wait3A_10 = tpu.memref_slice %arg3[%mul3A_2] : memref<2048xi32, #tpu.memory_space<hbm>> -> memref<64xi32, #tpu.memory_space<hbm>>
    tpu.wait_dma2 semaphore(%arg9 : memref<!tpu.dma_semaphore, #tpu.memory_space<semaphore_mem>>) src(%dma_wait3A_10 : memref<64xi32, #tpu.memory_space<hbm>>) dst(%arg6 : memref<64xi32, #tpu.memory_space<vmem>>)
    %dma_wait3A_11 = tpu.memref_slice %arg4[%mul3A_2] : memref<2048xi32, #tpu.memory_space<hbm>> -> memref<64xi32, #tpu.memory_space<hbm>>
    %dma_wait3A_12 = tpu.memref_slice %arg4[%mul3A_2] : memref<2048xi32, #tpu.memory_space<hbm>> -> memref<64xi32, #tpu.memory_space<hbm>>
    tpu.wait_dma2 semaphore(%arg9 : memref<!tpu.dma_semaphore, #tpu.memory_space<semaphore_mem>>) src(%dma_wait3A_12 : memref<64xi32, #tpu.memory_space<hbm>>) dst(%arg7 : memref<64xi32, #tpu.memory_space<vmem>>)
    %dma_wait3A_13 = arith.constant 0 : i32
    %dma_wait3A_14 = tpu.memref_slice %arg2[%mul3A_2, %dma_wait3A_13] : memref<2048x512xi32, #tpu.memory_space<hbm>> -> memref<64x512xi32, #tpu.memory_space<hbm>>
    %dma_wait3A_15 = arith.constant 0 : i32
    %dma_wait3A_16 = tpu.memref_slice %arg2[%mul3A_2, %dma_wait3A_15] : memref<2048x512xi32, #tpu.memory_space<hbm>> -> memref<64x512xi32, #tpu.memory_space<hbm>>
    tpu.wait_dma2 semaphore(%arg9 : memref<!tpu.dma_semaphore, #tpu.memory_space<semaphore_mem>>) src(%dma_wait3A_16 : memref<64x512xi32, #tpu.memory_space<hbm>>) dst(%arg8 : memref<64x512xi32, #tpu.memory_space<vmem>>)
    %dma_start3A_17 = arith.constant 0 : i32
    %dma_start3A_18 = arith.constant 0 : i32
    %dma_start3A_19 = tpu.memref_slice %arg5[%dma_start3A_17, %dma_start3A_18] : memref<7936x512xi32, #tpu.memory_space<hbm>> -> memref<7936x512xi32, #tpu.memory_space<hbm>>
    tpu.enqueue_indirect_dma source(%arg8 : memref<64x512xi32, #tpu.memory_space<vmem>>) target(%dma_start3A_19 : memref<7936x512xi32, #tpu.memory_space<hbm>>) offsets(%arg6 : memref<64xi32, #tpu.memory_space<vmem>>) semaphore(%arg9 : memref<!tpu.dma_semaphore, #tpu.memory_space<semaphore_mem>>)
    %dma_start3A_20 = arith.constant 0 : i32
    %dma_start3A_21 = arith.constant 0 : i32
    %dma_start3A_22 = tpu.memref_slice %arg5[%dma_start3A_20, %dma_start3A_21] : memref<7936x512xi32, #tpu.memory_space<hbm>> -> memref<7936x512xi32, #tpu.memory_space<hbm>>
    tpu.enqueue_indirect_dma source(%arg8 : memref<64x512xi32, #tpu.memory_space<vmem>>) target(%dma_start3A_22 : memref<7936x512xi32, #tpu.memory_space<hbm>>) offsets(%arg7 : memref<64xi32, #tpu.memory_space<vmem>>) semaphore(%arg9 : memref<!tpu.dma_semaphore, #tpu.memory_space<semaphore_mem>>)
    %dma_wait3A_23 = arith.constant 0 : i32
    %dma_wait3A_24 = arith.constant 0 : i32
    %dma_wait3A_25 = tpu.memref_slice %arg5[%dma_wait3A_23, %dma_wait3A_24] : memref<7936x512xi32, #tpu.memory_space<hbm>> -> memref<7936x512xi32, #tpu.memory_space<hbm>>
    tpu.wait_indirect_dma semaphore(%arg9 : memref<!tpu.dma_semaphore, #tpu.memory_space<semaphore_mem>>) src(%arg8 : memref<64x512xi32, #tpu.memory_space<vmem>>) dst(%dma_wait3A_25 : memref<7936x512xi32, #tpu.memory_space<hbm>>)
    %dma_wait3A_26 = arith.constant 0 : i32
    %dma_wait3A_27 = arith.constant 0 : i32
    %dma_wait3A_28 = tpu.memref_slice %arg5[%dma_wait3A_26, %dma_wait3A_27] : memref<7936x512xi32, #tpu.memory_space<hbm>> -> memref<7936x512xi32, #tpu.memory_space<hbm>>
    tpu.wait_indirect_dma semaphore(%arg9 : memref<!tpu.dma_semaphore, #tpu.memory_space<semaphore_mem>>) src(%arg8 : memref<64x512xi32, #tpu.memory_space<vmem>>) dst(%dma_wait3A_28 : memref<7936x512xi32, #tpu.memory_space<hbm>>)
    return
  }
}

#map = affine_map<(d0, d1) -> (0, 0)>
#map1 = affine_map<(d0, d1) -> (0)>
module attributes {stable_mosaic.version = 14 : i64} {
  func.func @k(%arg0: i32, %arg1: i32, %arg2: memref<7936x512xi32, #tpu.memory_space<hbm>>, %arg3: memref<2048xi32, #tpu.memory_space<hbm>>, %arg4: memref<2048xi32, #tpu.memory_space<hbm>>, %arg5: memref<2048x512xi32, #tpu.memory_space<hbm>>, %arg6: memref<2048x512xi32, #tpu.memory_space<hbm>>, %arg7: memref<64xi32, #tpu.memory_space<vmem>>, %arg8: memref<64xi32, #tpu.memory_space<vmem>>, %arg9: memref<64x512xi32, #tpu.memory_space<vmem>>, %arg10: memref<64x512xi32, #tpu.memory_space<vmem>>, %arg11: memref<!tpu.dma_semaphore, #tpu.memory_space<semaphore_mem>>, %arg12: memref<!tpu.dma_semaphore, #tpu.memory_space<semaphore_mem>>) attributes {dimension_semantics = [#tpu.dimension_semantics<core_parallel>, #tpu.dimension_semantics<subcore_parallel>], iteration_bounds = array<i64: 2, 16>, scalar_prefetch = 0 : i64, scratch_operands = 6 : i64, tpu.core_type = #tpu.core_type<sc_vector_subcore>, window_params = [{transform_indices = #map}, {transform_indices = #map1}, {transform_indices = #map1}, {transform_indices = #map}, {transform_indices = #map}]} {
    %mul3A = arith.constant 2 : i32
    %mul3A_0 = arith.muli %arg1, %mul3A : i32
    %add3A = arith.addi %mul3A_0, %arg0 : i32
    %mul3A_1 = arith.constant 64 : i32
    %mul3A_2 = arith.muli %add3A, %mul3A_1 : i32
    %dma_start3A = tpu.memref_slice %arg3[%mul3A_2] : memref<2048xi32, #tpu.memory_space<hbm>> -> memref<64xi32, #tpu.memory_space<hbm>>
    %dma_start3A_3 = tpu.memref_slice %arg3[%mul3A_2] : memref<2048xi32, #tpu.memory_space<hbm>> -> memref<64xi32, #tpu.memory_space<hbm>>
    tpu.enqueue_dma source(%dma_start3A_3 : memref<64xi32, #tpu.memory_space<hbm>>) target(%arg7 : memref<64xi32, #tpu.memory_space<vmem>>) target_semaphore(%arg11 : memref<!tpu.dma_semaphore, #tpu.memory_space<semaphore_mem>>)
    %dma_start3A_4 = tpu.memref_slice %arg4[%mul3A_2] : memref<2048xi32, #tpu.memory_space<hbm>> -> memref<64xi32, #tpu.memory_space<hbm>>
    %dma_start3A_5 = tpu.memref_slice %arg4[%mul3A_2] : memref<2048xi32, #tpu.memory_space<hbm>> -> memref<64xi32, #tpu.memory_space<hbm>>
    tpu.enqueue_dma source(%dma_start3A_5 : memref<64xi32, #tpu.memory_space<hbm>>) target(%arg8 : memref<64xi32, #tpu.memory_space<vmem>>) target_semaphore(%arg12 : memref<!tpu.dma_semaphore, #tpu.memory_space<semaphore_mem>>)
    %dma_wait3A = tpu.memref_slice %arg3[%mul3A_2] : memref<2048xi32, #tpu.memory_space<hbm>> -> memref<64xi32, #tpu.memory_space<hbm>>
    %dma_wait3A_6 = tpu.memref_slice %arg3[%mul3A_2] : memref<2048xi32, #tpu.memory_space<hbm>> -> memref<64xi32, #tpu.memory_space<hbm>>
    tpu.wait_dma2 semaphore(%arg11 : memref<!tpu.dma_semaphore, #tpu.memory_space<semaphore_mem>>) src(%dma_wait3A_6 : memref<64xi32, #tpu.memory_space<hbm>>) dst(%arg7 : memref<64xi32, #tpu.memory_space<vmem>>)
    %dma_start3A_7 = arith.constant 0 : i32
    %dma_start3A_8 = arith.constant 0 : i32
    %dma_start3A_9 = tpu.memref_slice %arg2[%dma_start3A_7, %dma_start3A_8] : memref<7936x512xi32, #tpu.memory_space<hbm>> -> memref<7936x512xi32, #tpu.memory_space<hbm>>
    tpu.enqueue_indirect_dma source(%dma_start3A_9 : memref<7936x512xi32, #tpu.memory_space<hbm>>) target(%arg9 : memref<64x512xi32, #tpu.memory_space<vmem>>) offsets(%arg7 : memref<64xi32, #tpu.memory_space<vmem>>) semaphore(%arg11 : memref<!tpu.dma_semaphore, #tpu.memory_space<semaphore_mem>>)
    %dma_wait3A_10 = tpu.memref_slice %arg4[%mul3A_2] : memref<2048xi32, #tpu.memory_space<hbm>> -> memref<64xi32, #tpu.memory_space<hbm>>
    %dma_wait3A_11 = tpu.memref_slice %arg4[%mul3A_2] : memref<2048xi32, #tpu.memory_space<hbm>> -> memref<64xi32, #tpu.memory_space<hbm>>
    tpu.wait_dma2 semaphore(%arg12 : memref<!tpu.dma_semaphore, #tpu.memory_space<semaphore_mem>>) src(%dma_wait3A_11 : memref<64xi32, #tpu.memory_space<hbm>>) dst(%arg8 : memref<64xi32, #tpu.memory_space<vmem>>)
    %dma_start3A_12 = arith.constant 0 : i32
    %dma_start3A_13 = arith.constant 0 : i32
    %dma_start3A_14 = tpu.memref_slice %arg2[%dma_start3A_12, %dma_start3A_13] : memref<7936x512xi32, #tpu.memory_space<hbm>> -> memref<7936x512xi32, #tpu.memory_space<hbm>>
    tpu.enqueue_indirect_dma source(%dma_start3A_14 : memref<7936x512xi32, #tpu.memory_space<hbm>>) target(%arg10 : memref<64x512xi32, #tpu.memory_space<vmem>>) offsets(%arg8 : memref<64xi32, #tpu.memory_space<vmem>>) semaphore(%arg12 : memref<!tpu.dma_semaphore, #tpu.memory_space<semaphore_mem>>)
    %dma_wait3A_15 = arith.constant 0 : i32
    %dma_wait3A_16 = arith.constant 0 : i32
    %dma_wait3A_17 = tpu.memref_slice %arg2[%dma_wait3A_15, %dma_wait3A_16] : memref<7936x512xi32, #tpu.memory_space<hbm>> -> memref<7936x512xi32, #tpu.memory_space<hbm>>
    tpu.wait_indirect_dma semaphore(%arg11 : memref<!tpu.dma_semaphore, #tpu.memory_space<semaphore_mem>>) src(%dma_wait3A_17 : memref<7936x512xi32, #tpu.memory_space<hbm>>) dst(%arg9 : memref<64x512xi32, #tpu.memory_space<vmem>>)
    %dma_start3A_18 = arith.constant 0 : i32
    %dma_start3A_19 = tpu.memref_slice %arg5[%mul3A_2, %dma_start3A_18] : memref<2048x512xi32, #tpu.memory_space<hbm>> -> memref<64x512xi32, #tpu.memory_space<hbm>>
    %dma_start3A_20 = arith.constant 0 : i32
    %dma_start3A_21 = tpu.memref_slice %arg5[%mul3A_2, %dma_start3A_20] : memref<2048x512xi32, #tpu.memory_space<hbm>> -> memref<64x512xi32, #tpu.memory_space<hbm>>
    tpu.enqueue_dma source(%arg9 : memref<64x512xi32, #tpu.memory_space<vmem>>) target(%dma_start3A_21 : memref<64x512xi32, #tpu.memory_space<hbm>>) target_semaphore(%arg11 : memref<!tpu.dma_semaphore, #tpu.memory_space<semaphore_mem>>)
    %dma_wait3A_22 = arith.constant 0 : i32
    %dma_wait3A_23 = arith.constant 0 : i32
    %dma_wait3A_24 = tpu.memref_slice %arg2[%dma_wait3A_22, %dma_wait3A_23] : memref<7936x512xi32, #tpu.memory_space<hbm>> -> memref<7936x512xi32, #tpu.memory_space<hbm>>
    tpu.wait_indirect_dma semaphore(%arg12 : memref<!tpu.dma_semaphore, #tpu.memory_space<semaphore_mem>>) src(%dma_wait3A_24 : memref<7936x512xi32, #tpu.memory_space<hbm>>) dst(%arg10 : memref<64x512xi32, #tpu.memory_space<vmem>>)
    %dma_start3A_25 = arith.constant 0 : i32
    %dma_start3A_26 = tpu.memref_slice %arg6[%mul3A_2, %dma_start3A_25] : memref<2048x512xi32, #tpu.memory_space<hbm>> -> memref<64x512xi32, #tpu.memory_space<hbm>>
    %dma_start3A_27 = arith.constant 0 : i32
    %dma_start3A_28 = tpu.memref_slice %arg6[%mul3A_2, %dma_start3A_27] : memref<2048x512xi32, #tpu.memory_space<hbm>> -> memref<64x512xi32, #tpu.memory_space<hbm>>
    tpu.enqueue_dma source(%arg10 : memref<64x512xi32, #tpu.memory_space<vmem>>) target(%dma_start3A_28 : memref<64x512xi32, #tpu.memory_space<hbm>>) target_semaphore(%arg12 : memref<!tpu.dma_semaphore, #tpu.memory_space<semaphore_mem>>)
    %dma_wait3A_29 = arith.constant 0 : i32
    %dma_wait3A_30 = tpu.memref_slice %arg5[%mul3A_2, %dma_wait3A_29] : memref<2048x512xi32, #tpu.memory_space<hbm>> -> memref<64x512xi32, #tpu.memory_space<hbm>>
    %dma_wait3A_31 = arith.constant 0 : i32
    %dma_wait3A_32 = tpu.memref_slice %arg5[%mul3A_2, %dma_wait3A_31] : memref<2048x512xi32, #tpu.memory_space<hbm>> -> memref<64x512xi32, #tpu.memory_space<hbm>>
    tpu.wait_dma2 semaphore(%arg11 : memref<!tpu.dma_semaphore, #tpu.memory_space<semaphore_mem>>) src(%arg9 : memref<64x512xi32, #tpu.memory_space<vmem>>) dst(%dma_wait3A_32 : memref<64x512xi32, #tpu.memory_space<hbm>>)
    %dma_wait3A_33 = arith.constant 0 : i32
    %dma_wait3A_34 = tpu.memref_slice %arg6[%mul3A_2, %dma_wait3A_33] : memref<2048x512xi32, #tpu.memory_space<hbm>> -> memref<64x512xi32, #tpu.memory_space<hbm>>
    %dma_wait3A_35 = arith.constant 0 : i32
    %dma_wait3A_36 = tpu.memref_slice %arg6[%mul3A_2, %dma_wait3A_35] : memref<2048x512xi32, #tpu.memory_space<hbm>> -> memref<64x512xi32, #tpu.memory_space<hbm>>
    tpu.wait_dma2 semaphore(%arg12 : memref<!tpu.dma_semaphore, #tpu.memory_space<semaphore_mem>>) src(%arg10 : memref<64x512xi32, #tpu.memory_space<vmem>>) dst(%dma_wait3A_36 : memref<64x512xi32, #tpu.memory_space<hbm>>)
    return
  }
}

module attributes {stable_mosaic.version = 14 : i64} {
  func.func @_gffn_kernel(%arg0: i32, %arg1: memref<64xi32, #tpu.memory_space<smem>>, %arg2: memref<1xi32, #tpu.memory_space<smem>>, %arg3: memref<256x512xi32, #tpu.memory_space<vmem>>, %arg4: memref<1x512x1024xf32, #tpu.memory_space<vmem>>, %arg5: memref<1x1024x512xf32, #tpu.memory_space<vmem>>, %arg6: memref<1x512x1024xf32, #tpu.memory_space<vmem>>, %arg7: memref<256x512xi32, #tpu.memory_space<vmem>>) attributes {dimension_semantics = [#tpu.dimension_semantics<arbitrary>], iteration_bounds = array<i64: 31>, scalar_prefetch = 2 : i64, scratch_operands = 0 : i64, tpu.core_type = #tpu.core_type<tc>, window_params = [{transform_indices = @transform_0, window_bounds = array<i64: 256, 512>}, {transform_indices = @transform_1, window_bounds = array<i64: 1, 512, 1024>}, {transform_indices = @transform_2, window_bounds = array<i64: 1, 1024, 512>}, {transform_indices = @transform_3, window_bounds = array<i64: 1, 512, 1024>}, {transform_indices = @transform_4, window_bounds = array<i64: 256, 512>}]} {
    %get3A = arith.constant 0 : index
    %get3A_0 = memref.load %arg2[%get3A] : memref<1xi32, #tpu.memory_space<smem>>
    %lt3A = arith.cmpi slt, %arg0, %get3A_0 : i32
    %convert_element_type3A = arith.extui %lt3A : i1 to i32
    %cond3A = arith.constant 0 : i32
    %cond3A_1 = arith.cmpi ne, %convert_element_type3A, %cond3A : i32
    scf.if %cond3A_1 {
      %get3A_2 = arith.constant 0 : index
      %get3A_3 = arith.constant 0 : index
      %get3A_4 = vector.load %arg3[%get3A_2, %get3A_3] : memref<256x512xi32, #tpu.memory_space<vmem>>, vector<256x512xi32>
      %shift_left3A = arith.constant 16 : i32
      %shift_left3A_5 = vector.broadcast %shift_left3A : i32 to vector<256x512xi32>
      %shift_left3A_6 = arith.shli %get3A_4, %shift_left3A_5 : vector<256x512xi32>
      %bitcast_convert_type3A = tpu.bitcast %shift_left3A_6 : vector<256x512xi32> -> vector<256x512xf32>
      %and3A = arith.constant -65536 : i32
      %and3A_7 = vector.broadcast %and3A : i32 to vector<256x512xi32>
      %and3A_8 = arith.andi %get3A_4, %and3A_7 : vector<256x512xi32>
      %bitcast_convert_type3A_9 = tpu.bitcast %and3A_8 : vector<256x512xi32> -> vector<256x512xf32>
      %get3A_10 = arith.constant 0 : index
      %get3A_11 = arith.constant 0 : index
      %get3A_12 = arith.constant 0 : index
      %get3A_13 = vector.load %arg4[%get3A_10, %get3A_11, %get3A_12] : memref<1x512x1024xf32, #tpu.memory_space<vmem>>, vector<1x512x1024xf32>
      %get3A_14 = vector.shape_cast %get3A_13 : vector<1x512x1024xf32> to vector<512x1024xf32>
      %get3A_15 = arith.constant 0 : index
      %get3A_16 = arith.constant 0 : index
      %get3A_17 = arith.constant 0 : index
      %get3A_18 = vector.load %arg6[%get3A_15, %get3A_16, %get3A_17] : memref<1x512x1024xf32, #tpu.memory_space<vmem>>, vector<1x512x1024xf32>
      %get3A_19 = vector.shape_cast %get3A_18 : vector<1x512x1024xf32> to vector<512x1024xf32>
      %slice3A = vector.extract_strided_slice %get3A_14 {offsets = [0, 0], sizes = [512, 512], strides = [1, 1]} : vector<512x1024xf32> to vector<512x512xf32>
      %dot_general3A = arith.constant dense<0.000000e+00> : vector<256x512xf32>
      %dot_general3A_20 = tpu.matmul %bitcast_convert_type3A, %slice3A, %dot_general3A {dimension_numbers = #tpu.dot_dimension_numbers<[1], [1], [0], [0], [0, 0, 1, 0], [], []>, transpose_lhs_hint = false} : vector<256x512xf32>, vector<512x512xf32>, vector<256x512xf32> -> vector<256x512xf32>
      %slice3A_21 = vector.extract_strided_slice %get3A_14 {offsets = [0, 512], sizes = [512, 512], strides = [1, 1]} : vector<512x1024xf32> to vector<512x512xf32>
      %dot_general3A_22 = arith.constant dense<0.000000e+00> : vector<256x512xf32>
      %dot_general3A_23 = tpu.matmul %bitcast_convert_type3A_9, %slice3A_21, %dot_general3A_22 {dimension_numbers = #tpu.dot_dimension_numbers<[1], [1], [0], [0], [0, 0, 1, 0], [], []>, transpose_lhs_hint = false} : vector<256x512xf32>, vector<512x512xf32>, vector<256x512xf32> -> vector<256x512xf32>
      %add3A = arith.addf %dot_general3A_20, %dot_general3A_23 : vector<256x512xf32>
      %neg3A = arith.constant 0.000000e+00 : f32
      %neg3A_24 = vector.broadcast %neg3A : f32 to vector<256x512xf32>
      %neg3A_25 = arith.subf %neg3A_24, %add3A : vector<256x512xf32>
      %exp3A = math.exp %neg3A_25 : vector<256x512xf32>
      %add3A_26 = arith.constant 1.000000e+00 : f32
      %add3A_27 = vector.broadcast %add3A_26 : f32 to vector<256x512xf32>
      %add3A_28 = arith.addf %add3A_27, %exp3A : vector<256x512xf32>
      %div3A = arith.constant 1.000000e+00 : f32
      %div3A_29 = vector.broadcast %div3A : f32 to vector<256x512xf32>
      %div3A_30 = arith.divf %div3A_29, %add3A_28 : vector<256x512xf32>
      %mul3A = arith.mulf %add3A, %div3A_30 : vector<256x512xf32>
      %slice3A_31 = vector.extract_strided_slice %get3A_19 {offsets = [0, 0], sizes = [512, 512], strides = [1, 1]} : vector<512x1024xf32> to vector<512x512xf32>
      %dot_general3A_32 = arith.constant dense<0.000000e+00> : vector<256x512xf32>
      %dot_general3A_33 = tpu.matmul %bitcast_convert_type3A, %slice3A_31, %dot_general3A_32 {dimension_numbers = #tpu.dot_dimension_numbers<[1], [1], [0], [0], [0, 0, 1, 0], [], []>, transpose_lhs_hint = false} : vector<256x512xf32>, vector<512x512xf32>, vector<256x512xf32> -> vector<256x512xf32>
      %slice3A_34 = vector.extract_strided_slice %get3A_19 {offsets = [0, 512], sizes = [512, 512], strides = [1, 1]} : vector<512x1024xf32> to vector<512x512xf32>
      %dot_general3A_35 = arith.constant dense<0.000000e+00> : vector<256x512xf32>
      %dot_general3A_36 = tpu.matmul %bitcast_convert_type3A_9, %slice3A_34, %dot_general3A_35 {dimension_numbers = #tpu.dot_dimension_numbers<[1], [1], [0], [0], [0, 0, 1, 0], [], []>, transpose_lhs_hint = false} : vector<256x512xf32>, vector<512x512xf32>, vector<256x512xf32> -> vector<256x512xf32>
      %add3A_37 = arith.addf %dot_general3A_33, %dot_general3A_36 : vector<256x512xf32>
      %mul3A_38 = arith.mulf %mul3A, %add3A_37 : vector<256x512xf32>
      %get3A_39 = arith.constant 0 : index
      %get3A_40 = arith.constant 0 : index
      %get3A_41 = arith.constant 0 : index
      %get3A_42 = vector.load %arg5[%get3A_39, %get3A_40, %get3A_41] : memref<1x1024x512xf32, #tpu.memory_space<vmem>>, vector<1x1024x512xf32>
      %get3A_43 = vector.shape_cast %get3A_42 : vector<1x1024x512xf32> to vector<1024x512xf32>
      %dot_general3A_44 = arith.constant dense<0.000000e+00> : vector<256x1024xf32>
      %dot_general3A_45 = tpu.matmul %mul3A_38, %get3A_43, %dot_general3A_44 {dimension_numbers = #tpu.dot_dimension_numbers<[1], [1], [0], [0], [0, 0, 1, 0], [], []>, transpose_lhs_hint = false} : vector<256x512xf32>, vector<1024x512xf32>, vector<256x1024xf32> -> vector<256x1024xf32>
      %bitcast_convert_type3A_46 = tpu.bitcast %dot_general3A_45 : vector<256x1024xf32> -> vector<256x1024xi32>
      %slice3A_47 = vector.extract_strided_slice %bitcast_convert_type3A_46 {offsets = [0, 0], sizes = [256, 512], strides = [1, 1]} : vector<256x1024xi32> to vector<256x512xi32>
      %add3A_48 = arith.constant 32768 : i32
      %add3A_49 = vector.broadcast %add3A_48 : i32 to vector<256x512xi32>
      %add3A_50 = arith.addi %slice3A_47, %add3A_49 : vector<256x512xi32>
      %shift_right_logical3A = arith.constant 16 : i32
      %shift_right_logical3A_51 = vector.broadcast %shift_right_logical3A : i32 to vector<256x512xi32>
      %shift_right_logical3A_52 = arith.shrui %add3A_50, %shift_right_logical3A_51 : vector<256x512xi32>
      %slice3A_53 = vector.extract_strided_slice %bitcast_convert_type3A_46 {offsets = [0, 512], sizes = [256, 512], strides = [1, 1]} : vector<256x1024xi32> to vector<256x512xi32>
      %add3A_54 = arith.constant 32768 : i32
      %add3A_55 = vector.broadcast %add3A_54 : i32 to vector<256x512xi32>
      %add3A_56 = arith.addi %slice3A_53, %add3A_55 : vector<256x512xi32>
      %shift_right_logical3A_57 = arith.constant 16 : i32
      %shift_right_logical3A_58 = vector.broadcast %shift_right_logical3A_57 : i32 to vector<256x512xi32>
      %shift_right_logical3A_59 = arith.shrui %add3A_56, %shift_right_logical3A_58 : vector<256x512xi32>
      %shift_left3A_60 = arith.constant 16 : i32
      %shift_left3A_61 = vector.broadcast %shift_left3A_60 : i32 to vector<256x512xi32>
      %shift_left3A_62 = arith.shli %shift_right_logical3A_59, %shift_left3A_61 : vector<256x512xi32>
      %or3A = arith.ori %shift_right_logical3A_52, %shift_left3A_62 : vector<256x512xi32>
      %swap3A = arith.constant 0 : index
      %swap3A_63 = arith.constant 0 : index
      %swap3A_64 = vector.load %arg7[%swap3A, %swap3A_63] : memref<256x512xi32, #tpu.memory_space<vmem>>, vector<256x512xi32>
      tpu.vector_store %arg7[%swap3A, %swap3A_63], %or3A {strides = array<i32>} : memref<256x512xi32, #tpu.memory_space<vmem>>, vector<256x512xi32>,
    } else {
    }
    return
  }
  func.func @transform_0(%arg0: i32, %arg1: memref<64xi32, #tpu.memory_space<smem>>, %arg2: memref<1xi32, #tpu.memory_space<smem>>) -> (i32, i32) {
    %c0_i32 = arith.constant 0 : i32
    %c0_i32_0 = arith.constant 0 : i32
    return %arg0, %c0_i32 : i32, i32
  }
  func.func @transform_1(%arg0: i32, %arg1: memref<64xi32, #tpu.memory_space<smem>>, %arg2: memref<1xi32, #tpu.memory_space<smem>>) -> (i32, i32, i32) {
    %get3A = arith.index_cast %arg0 : i32 to index
    %get3A_0 = memref.load %arg1[%get3A] : memref<64xi32, #tpu.memory_space<smem>>
    %c0_i32 = arith.constant 0 : i32
    %c0_i32_1 = arith.constant 0 : i32
    %c0_i32_2 = arith.constant 0 : i32
    return %get3A_0, %c0_i32, %c0_i32_1 : i32, i32, i32
  }
  func.func @transform_2(%arg0: i32, %arg1: memref<64xi32, #tpu.memory_space<smem>>, %arg2: memref<1xi32, #tpu.memory_space<smem>>) -> (i32, i32, i32) {
    %get3A = arith.index_cast %arg0 : i32 to index
    %get3A_0 = memref.load %arg1[%get3A] : memref<64xi32, #tpu.memory_space<smem>>
    %c0_i32 = arith.constant 0 : i32
    %c0_i32_1 = arith.constant 0 : i32
    %c0_i32_2 = arith.constant 0 : i32
    return %get3A_0, %c0_i32, %c0_i32_1 : i32, i32, i32
  }
  func.func @transform_3(%arg0: i32, %arg1: memref<64xi32, #tpu.memory_space<smem>>, %arg2: memref<1xi32, #tpu.memory_space<smem>>) -> (i32, i32, i32) {
    %get3A = arith.index_cast %arg0 : i32 to index
    %get3A_0 = memref.load %arg1[%get3A] : memref<64xi32, #tpu.memory_space<smem>>
    %c0_i32 = arith.constant 0 : i32
    %c0_i32_1 = arith.constant 0 : i32
    %c0_i32_2 = arith.constant 0 : i32
    return %get3A_0, %c0_i32, %c0_i32_1 : i32, i32, i32
  }
  func.func @transform_4(%arg0: i32, %arg1: memref<64xi32, #tpu.memory_space<smem>>, %arg2: memref<1xi32, #tpu.memory_space<smem>>) -> (i32, i32) {
    %c0_i32 = arith.constant 0 : i32
    %c0_i32_0 = arith.constant 0 : i32
    return %arg0, %c0_i32 : i32, i32
  }
}

module attributes {stable_mosaic.version = 14 : i64} {
  func.func @_combine_kernel(%arg0: i32, %arg1: memref<256x2xf32, #tpu.memory_space<vmem>>, %arg2: memref<256x512xi32, #tpu.memory_space<vmem>>, %arg3: memref<256x512xi32, #tpu.memory_space<vmem>>, %arg4: memref<256x1024xf32, #tpu.memory_space<vmem>>) attributes {dimension_semantics = [#tpu.dimension_semantics<arbitrary>], iteration_bounds = array<i64: 8>, scalar_prefetch = 0 : i64, scratch_operands = 0 : i64, tpu.core_type = #tpu.core_type<tc>, window_params = [{transform_indices = @transform_0, window_bounds = array<i64: 256, 2>}, {transform_indices = @transform_1, window_bounds = array<i64: 256, 512>}, {transform_indices = @transform_2, window_bounds = array<i64: 256, 512>}, {transform_indices = @transform_3, window_bounds = array<i64: 256, 1024>}]} {
    %get3A = arith.constant 0 : index
    %get3A_0 = arith.constant 0 : index
    %get3A_1 = vector.load %arg1[%get3A, %get3A_0] : memref<256x2xf32, #tpu.memory_space<vmem>>, vector<256x2xf32>
    %slice3A = vector.extract_strided_slice %get3A_1 {offsets = [0, 0], sizes = [256, 1], strides = [1, 1]} : vector<256x2xf32> to vector<256x1xf32>
    %slice3A_2 = vector.extract_strided_slice %get3A_1 {offsets = [0, 1], sizes = [256, 1], strides = [1, 1]} : vector<256x2xf32> to vector<256x1xf32>
    %get3A_3 = arith.constant 0 : index
    %get3A_4 = arith.constant 0 : index
    %get3A_5 = vector.load %arg2[%get3A_3, %get3A_4] : memref<256x512xi32, #tpu.memory_space<vmem>>, vector<256x512xi32>
    %shift_left3A = arith.constant 16 : i32
    %shift_left3A_6 = vector.broadcast %shift_left3A : i32 to vector<256x512xi32>
    %shift_left3A_7 = arith.shli %get3A_5, %shift_left3A_6 : vector<256x512xi32>
    %bitcast_convert_type3A = tpu.bitcast %shift_left3A_7 : vector<256x512xi32> -> vector<256x512xf32>
    %and3A = arith.constant -65536 : i32
    %and3A_8 = vector.broadcast %and3A : i32 to vector<256x512xi32>
    %and3A_9 = arith.andi %get3A_5, %and3A_8 : vector<256x512xi32>
    %bitcast_convert_type3A_10 = tpu.bitcast %and3A_9 : vector<256x512xi32> -> vector<256x512xf32>
    %get3A_11 = arith.constant 0 : index
    %get3A_12 = arith.constant 0 : index
    %get3A_13 = vector.load %arg3[%get3A_11, %get3A_12] : memref<256x512xi32, #tpu.memory_space<vmem>>, vector<256x512xi32>
    %shift_left3A_14 = arith.constant 16 : i32
    %shift_left3A_15 = vector.broadcast %shift_left3A_14 : i32 to vector<256x512xi32>
    %shift_left3A_16 = arith.shli %get3A_13, %shift_left3A_15 : vector<256x512xi32>
    %bitcast_convert_type3A_17 = tpu.bitcast %shift_left3A_16 : vector<256x512xi32> -> vector<256x512xf32>
    %and3A_18 = arith.constant -65536 : i32
    %and3A_19 = vector.broadcast %and3A_18 : i32 to vector<256x512xi32>
    %and3A_20 = arith.andi %get3A_13, %and3A_19 : vector<256x512xi32>
    %bitcast_convert_type3A_21 = tpu.bitcast %and3A_20 : vector<256x512xi32> -> vector<256x512xf32>
    %mul3A = vector.broadcast %slice3A : vector<256x1xf32> to vector<256x512xf32>
    %mul3A_22 = arith.mulf %mul3A, %bitcast_convert_type3A : vector<256x512xf32>
    %mul3A_23 = vector.broadcast %slice3A_2 : vector<256x1xf32> to vector<256x512xf32>
    %mul3A_24 = arith.mulf %mul3A_23, %bitcast_convert_type3A_17 : vector<256x512xf32>
    %add3A = arith.addf %mul3A_22, %mul3A_24 : vector<256x512xf32>
    %mul3A_25 = vector.broadcast %slice3A : vector<256x1xf32> to vector<256x512xf32>
    %mul3A_26 = arith.mulf %mul3A_25, %bitcast_convert_type3A_10 : vector<256x512xf32>
    %mul3A_27 = vector.broadcast %slice3A_2 : vector<256x1xf32> to vector<256x512xf32>
    %mul3A_28 = arith.mulf %mul3A_27, %bitcast_convert_type3A_21 : vector<256x512xf32>
    %add3A_29 = arith.addf %mul3A_26, %mul3A_28 : vector<256x512xf32>
    %concatenate3A = tpu.concatenate %add3A, %add3A_29 in 1 : vector<256x512xf32>, vector<256x512xf32> -> vector<256x1024xf32>
    %swap3A = arith.constant 0 : index
    %swap3A_30 = arith.constant 0 : index
    %swap3A_31 = vector.load %arg4[%swap3A, %swap3A_30] : memref<256x1024xf32, #tpu.memory_space<vmem>>, vector<256x1024xf32>
    tpu.vector_store %arg4[%swap3A, %swap3A_30], %concatenate3A {strides = array<i32>} : memref<256x1024xf32, #tpu.memory_space<vmem>>, vector<256x1024xf32>,
    return
  }
  func.func @transform_0(%arg0: i32) -> (i32, i32) {
    %c0_i32 = arith.constant 0 : i32
    %c0_i32_0 = arith.constant 0 : i32
    return %arg0, %c0_i32 : i32, i32
  }
  func.func @transform_1(%arg0: i32) -> (i32, i32) {
    %c0_i32 = arith.constant 0 : i32
    %c0_i32_0 = arith.constant 0 : i32
    return %arg0, %c0_i32 : i32, i32
  }
  func.func @transform_2(%arg0: i32) -> (i32, i32) {
    %c0_i32 = arith.constant 0 : i32
    %c0_i32_0 = arith.constant 0 : i32
    return %arg0, %c0_i32 : i32, i32
  }
  func.func @transform_3(%arg0: i32) -> (i32, i32) {
    %c0_i32 = arith.constant 0 : i32
    %c0_i32_0 = arith.constant 0 : i32
    return %arg0, %c0_i32 : i32, i32
  }
}

module attributes {stable_mosaic.version = 14 : i64} {
  func.func @_route_kernel(%arg0: memref<2048x1024xf32, #tpu.memory_space<vmem>>, %arg1: memref<16x1024xf32, #tpu.memory_space<vmem>>, %arg2: memref<2048x2xf32, #tpu.memory_space<vmem>>, %arg3: memref<2048x1xi32, #tpu.memory_space<vmem>>, %arg4: memref<2048x1xi32, #tpu.memory_space<vmem>>, %arg5: memref<64x1xi32, #tpu.memory_space<vmem>>, %arg6: memref<1x1xi32, #tpu.memory_space<vmem>>, %arg7: memref<2048x512xi32, #tpu.memory_space<vmem>>) attributes {dimension_semantics = [], scalar_prefetch = 0 : i64, scratch_operands = 0 : i64, tpu.core_type = #tpu.core_type<tc>} {
    %get3A = arith.constant 0 : index
    %get3A_0 = arith.constant 0 : index
    %get3A_1 = vector.load %arg0[%get3A, %get3A_0] : memref<2048x1024xf32, #tpu.memory_space<vmem>>, vector<2048x1024xf32>
    %bitcast_convert_type3A = tpu.bitcast %get3A_1 : vector<2048x1024xf32> -> vector<2048x1024xi32>
    %slice3A = vector.extract_strided_slice %bitcast_convert_type3A {offsets = [0, 0], sizes = [2048, 512], strides = [1, 1]} : vector<2048x1024xi32> to vector<2048x512xi32>
    %add3A = arith.constant 32768 : i32
    %add3A_2 = vector.broadcast %add3A : i32 to vector<2048x512xi32>
    %add3A_3 = arith.addi %slice3A, %add3A_2 : vector<2048x512xi32>
    %shift_right_logical3A = arith.constant 16 : i32
    %shift_right_logical3A_4 = vector.broadcast %shift_right_logical3A : i32 to vector<2048x512xi32>
    %shift_right_logical3A_5 = arith.shrui %add3A_3, %shift_right_logical3A_4 : vector<2048x512xi32>
    %slice3A_6 = vector.extract_strided_slice %bitcast_convert_type3A {offsets = [0, 512], sizes = [2048, 512], strides = [1, 1]} : vector<2048x1024xi32> to vector<2048x512xi32>
    %add3A_7 = arith.constant 32768 : i32
    %add3A_8 = vector.broadcast %add3A_7 : i32 to vector<2048x512xi32>
    %add3A_9 = arith.addi %slice3A_6, %add3A_8 : vector<2048x512xi32>
    %shift_right_logical3A_10 = arith.constant 16 : i32
    %shift_right_logical3A_11 = vector.broadcast %shift_right_logical3A_10 : i32 to vector<2048x512xi32>
    %shift_right_logical3A_12 = arith.shrui %add3A_9, %shift_right_logical3A_11 : vector<2048x512xi32>
    %shift_left3A = arith.constant 16 : i32
    %shift_left3A_13 = vector.broadcast %shift_left3A : i32 to vector<2048x512xi32>
    %shift_left3A_14 = arith.shli %shift_right_logical3A_12, %shift_left3A_13 : vector<2048x512xi32>
    %or3A = arith.ori %shift_right_logical3A_5, %shift_left3A_14 : vector<2048x512xi32>
    %swap3A = arith.constant 0 : index
    %swap3A_15 = arith.constant 0 : index
    %swap3A_16 = vector.load %arg7[%swap3A, %swap3A_15] : memref<2048x512xi32, #tpu.memory_space<vmem>>, vector<2048x512xi32>
    tpu.vector_store %arg7[%swap3A, %swap3A_15], %or3A {strides = array<i32>} : memref<2048x512xi32, #tpu.memory_space<vmem>>, vector<2048x512xi32>,
    %get3A_17 = arith.constant 0 : index
    %get3A_18 = arith.constant 0 : index
    %get3A_19 = vector.load %arg1[%get3A_17, %get3A_18] : memref<16x1024xf32, #tpu.memory_space<vmem>>, vector<16x1024xf32>
    %dot_general3A = arith.constant dense<0.000000e+00> : vector<2048x16xf32>
    %dot_general3A_20 = tpu.matmul %get3A_1, %get3A_19, %dot_general3A {dimension_numbers = #tpu.dot_dimension_numbers<[1], [1], [0], [0], [0, 0, 1, 0], [], []>, transpose_lhs_hint = false} : vector<2048x1024xf32>, vector<16x1024xf32>, vector<2048x16xf32> -> vector<2048x16xf32>
    %reduce_max3A = arith.constant dense<0xFF800000> : vector<2048xf32>
    %reduce_max3A_21 = vector.multi_reduction <maximumf>, %dot_general3A_20, %reduce_max3A [1] : vector<2048x16xf32> to vector<2048xf32>
    %broadcast_in_dim3A = vector.shape_cast %reduce_max3A_21 : vector<2048xf32> to vector<2048x1xf32>
    %sub3A = vector.broadcast %broadcast_in_dim3A : vector<2048x1xf32> to vector<2048x16xf32>
    %sub3A_22 = arith.subf %dot_general3A_20, %sub3A : vector<2048x16xf32>
    %exp3A = math.exp %sub3A_22 : vector<2048x16xf32>
    %reduce_sum3A = arith.constant dense<0.000000e+00> : vector<2048xf32>
    %reduce_sum3A_23 = vector.multi_reduction <add>, %exp3A, %reduce_sum3A [1] : vector<2048x16xf32> to vector<2048xf32>
    %broadcast_in_dim3A_24 = vector.shape_cast %reduce_sum3A_23 : vector<2048xf32> to vector<2048x1xf32>
    %div3A = vector.broadcast %broadcast_in_dim3A_24 : vector<2048x1xf32> to vector<2048x16xf32>
    %div3A_25 = arith.divf %exp3A, %div3A : vector<2048x16xf32>
    %iota3A = tpu.iota {dimensions = array<i32: 1>} : vector<2048x16xi32>
    %reduce_max3A_26 = arith.constant dense<0xFF800000> : vector<2048xf32>
    %reduce_max3A_27 = vector.multi_reduction <maximumf>, %div3A_25, %reduce_max3A_26 [1] : vector<2048x16xf32> to vector<2048xf32>
    %broadcast_in_dim3A_28 = vector.shape_cast %reduce_max3A_27 : vector<2048xf32> to vector<2048x1xf32>
    %eq3A = vector.broadcast %broadcast_in_dim3A_28 : vector<2048x1xf32> to vector<2048x16xf32>
    %eq3A_29 = arith.cmpf oeq, %div3A_25, %eq3A : vector<2048x16xf32>
    %jit3A = arith.constant 16 : i32
    %broadcast_in_dim3A_30 = vector.broadcast %jit3A : i32 to vector<2048x16xi32>
    %select_n3A = arith.select %eq3A_29, %iota3A, %broadcast_in_dim3A_30 : vector<2048x16xi1>, vector<2048x16xi32>
    %reduce_min3A = arith.constant dense<2147483647> : vector<2048xi32>
    %reduce_min3A_31 = vector.multi_reduction <minsi>, %select_n3A, %reduce_min3A [1] : vector<2048x16xi32> to vector<2048xi32>
    %broadcast_in_dim3A_32 = vector.shape_cast %reduce_min3A_31 : vector<2048xi32> to vector<2048x1xi32>
    %eq3A_33 = vector.broadcast %broadcast_in_dim3A_32 : vector<2048x1xi32> to vector<2048x16xi32>
    %eq3A_34 = arith.cmpi eq, %iota3A, %eq3A_33 : vector<2048x16xi32>
    %jit3A_35 = arith.constant 0xFF800000 : f32
    %broadcast_in_dim3A_36 = vector.broadcast %jit3A_35 : f32 to vector<2048x16xf32>
    %select_n3A_37 = arith.select %eq3A_34, %broadcast_in_dim3A_36, %div3A_25 : vector<2048x16xi1>, vector<2048x16xf32>
    %reduce_max3A_38 = arith.constant dense<0xFF800000> : vector<2048xf32>
    %reduce_max3A_39 = vector.multi_reduction <maximumf>, %select_n3A_37, %reduce_max3A_38 [1] : vector<2048x16xf32> to vector<2048xf32>
    %broadcast_in_dim3A_40 = vector.shape_cast %reduce_max3A_39 : vector<2048xf32> to vector<2048x1xf32>
    %eq3A_41 = vector.broadcast %broadcast_in_dim3A_40 : vector<2048x1xf32> to vector<2048x16xf32>
    %eq3A_42 = arith.cmpf oeq, %select_n3A_37, %eq3A_41 : vector<2048x16xf32>
    %jit3A_43 = arith.constant 16 : i32
    %broadcast_in_dim3A_44 = vector.broadcast %jit3A_43 : i32 to vector<2048x16xi32>
    %select_n3A_45 = arith.select %eq3A_42, %iota3A, %broadcast_in_dim3A_44 : vector<2048x16xi1>, vector<2048x16xi32>
    %reduce_min3A_46 = arith.constant dense<2147483647> : vector<2048xi32>
    %reduce_min3A_47 = vector.multi_reduction <minsi>, %select_n3A_45, %reduce_min3A_46 [1] : vector<2048x16xi32> to vector<2048xi32>
    %broadcast_in_dim3A_48 = vector.shape_cast %reduce_min3A_47 : vector<2048xi32> to vector<2048x1xi32>
    %concatenate3A = tpu.concatenate %broadcast_in_dim3A_28, %broadcast_in_dim3A_40 in 1 : vector<2048x1xf32>, vector<2048x1xf32> -> vector<2048x2xf32>
    %add3A_49 = arith.addf %broadcast_in_dim3A_28, %broadcast_in_dim3A_40 : vector<2048x1xf32>
    %div3A_50 = vector.broadcast %add3A_49 : vector<2048x1xf32> to vector<2048x2xf32>
    %div3A_51 = arith.divf %concatenate3A, %div3A_50 : vector<2048x2xf32>
    %swap3A_52 = arith.constant 0 : index
    %swap3A_53 = arith.constant 0 : index
    %swap3A_54 = vector.load %arg2[%swap3A_52, %swap3A_53] : memref<2048x2xf32, #tpu.memory_space<vmem>>, vector<2048x2xf32>
    tpu.vector_store %arg2[%swap3A_52, %swap3A_53], %div3A_51 {strides = array<i32>} : memref<2048x2xf32, #tpu.memory_space<vmem>>, vector<2048x2xf32>,
    %concatenate3A_55 = tpu.concatenate %broadcast_in_dim3A_32, %broadcast_in_dim3A_48 in 0 : vector<2048x1xi32>, vector<2048x1xi32> -> vector<4096x1xi32>
    %iota3A_56 = tpu.iota {dimensions = array<i32: 1>} : vector<4096x16xi32>
    %eq3A_57 = vector.broadcast %concatenate3A_55 : vector<4096x1xi32> to vector<4096x16xi32>
    %eq3A_58 = arith.cmpi eq, %eq3A_57, %iota3A_56 : vector<4096x16xi32>
    %jit3A_59 = arith.constant 1.000000e+00 : f32
    %jit3A_60 = arith.constant 0.000000e+00 : f32
    %broadcast_in_dim3A_61 = vector.broadcast %jit3A_59 : f32 to vector<4096x16xf32>
    %broadcast_in_dim3A_62 = vector.broadcast %jit3A_60 : f32 to vector<4096x16xf32>
    %select_n3A_63 = arith.select %eq3A_58, %broadcast_in_dim3A_61, %broadcast_in_dim3A_62 : vector<4096x16xi1>, vector<4096x16xf32>
    %iota3A_64 = tpu.iota {dimensions = array<i32: 0>} : vector<128x128xi32>
    %iota3A_65 = tpu.iota {dimensions = array<i32: 1>} : vector<128x128xi32>
    %lt3A = arith.cmpi slt, %iota3A_65, %iota3A_64 : vector<128x128xi32>
    %jit3A_66 = arith.constant 1.000000e+00 : f32
    %jit3A_67 = arith.constant 0.000000e+00 : f32
    %broadcast_in_dim3A_68 = vector.broadcast %jit3A_66 : f32 to vector<128x128xf32>
    %broadcast_in_dim3A_69 = vector.broadcast %jit3A_67 : f32 to vector<128x128xf32>
    %select_n3A_70 = arith.select %lt3A, %broadcast_in_dim3A_68, %broadcast_in_dim3A_69 : vector<128x128xi1>, vector<128x128xf32>
    %iota3A_71 = tpu.iota {dimensions = array<i32: 0>} : vector<32x32xi32>
    %iota3A_72 = tpu.iota {dimensions = array<i32: 1>} : vector<32x32xi32>
    %lt3A_73 = arith.cmpi slt, %iota3A_72, %iota3A_71 : vector<32x32xi32>
    %jit3A_74 = arith.constant 1.000000e+00 : f32
    %jit3A_75 = arith.constant 0.000000e+00 : f32
    %broadcast_in_dim3A_76 = vector.broadcast %jit3A_74 : f32 to vector<32x32xf32>
    %broadcast_in_dim3A_77 = vector.broadcast %jit3A_75 : f32 to vector<32x32xf32>
    %select_n3A_78 = arith.select %lt3A_73, %broadcast_in_dim3A_76, %broadcast_in_dim3A_77 : vector<32x32xi1>, vector<32x32xf32>
    %slice3A_79 = vector.extract_strided_slice %select_n3A_63 {offsets = [0, 0], sizes = [128, 16], strides = [1, 1]} : vector<4096x16xf32> to vector<128x16xf32>
    %slice3A_80 = vector.extract_strided_slice %select_n3A_63 {offsets = [128, 0], sizes = [128, 16], strides = [1, 1]} : vector<4096x16xf32> to vector<128x16xf32>
    %slice3A_81 = vector.extract_strided_slice %select_n3A_63 {offsets = [256, 0], sizes = [128, 16], strides = [1, 1]} : vector<4096x16xf32> to vector<128x16xf32>
    %slice3A_82 = vector.extract_strided_slice %select_n3A_63 {offsets = [384, 0], sizes = [128, 16], strides = [1, 1]} : vector<4096x16xf32> to vector<128x16xf32>
    %slice3A_83 = vector.extract_strided_slice %select_n3A_63 {offsets = [512, 0], sizes = [128, 16], strides = [1, 1]} : vector<4096x16xf32> to vector<128x16xf32>
    %slice3A_84 = vector.extract_strided_slice %select_n3A_63 {offsets = [640, 0], sizes = [128, 16], strides = [1, 1]} : vector<4096x16xf32> to vector<128x16xf32>
    %slice3A_85 = vector.extract_strided_slice %select_n3A_63 {offsets = [768, 0], sizes = [128, 16], strides = [1, 1]} : vector<4096x16xf32> to vector<128x16xf32>
    %slice3A_86 = vector.extract_strided_slice %select_n3A_63 {offsets = [896, 0], sizes = [128, 16], strides = [1, 1]} : vector<4096x16xf32> to vector<128x16xf32>
    %slice3A_87 = vector.extract_strided_slice %select_n3A_63 {offsets = [1024, 0], sizes = [128, 16], strides = [1, 1]} : vector<4096x16xf32> to vector<128x16xf32>
    %slice3A_88 = vector.extract_strided_slice %select_n3A_63 {offsets = [1152, 0], sizes = [128, 16], strides = [1, 1]} : vector<4096x16xf32> to vector<128x16xf32>
    %slice3A_89 = vector.extract_strided_slice %select_n3A_63 {offsets = [1280, 0], sizes = [128, 16], strides = [1, 1]} : vector<4096x16xf32> to vector<128x16xf32>
    %slice3A_90 = vector.extract_strided_slice %select_n3A_63 {offsets = [1408, 0], sizes = [128, 16], strides = [1, 1]} : vector<4096x16xf32> to vector<128x16xf32>
    %slice3A_91 = vector.extract_strided_slice %select_n3A_63 {offsets = [1536, 0], sizes = [128, 16], strides = [1, 1]} : vector<4096x16xf32> to vector<128x16xf32>
    %slice3A_92 = vector.extract_strided_slice %select_n3A_63 {offsets = [1664, 0], sizes = [128, 16], strides = [1, 1]} : vector<4096x16xf32> to vector<128x16xf32>
    %slice3A_93 = vector.extract_strided_slice %select_n3A_63 {offsets = [1792, 0], sizes = [128, 16], strides = [1, 1]} : vector<4096x16xf32> to vector<128x16xf32>
    %slice3A_94 = vector.extract_strided_slice %select_n3A_63 {offsets = [1920, 0], sizes = [128, 16], strides = [1, 1]} : vector<4096x16xf32> to vector<128x16xf32>
    %slice3A_95 = vector.extract_strided_slice %select_n3A_63 {offsets = [2048, 0], sizes = [128, 16], strides = [1, 1]} : vector<4096x16xf32> to vector<128x16xf32>
    %slice3A_96 = vector.extract_strided_slice %select_n3A_63 {offsets = [2176, 0], sizes = [128, 16], strides = [1, 1]} : vector<4096x16xf32> to vector<128x16xf32>
    %slice3A_97 = vector.extract_strided_slice %select_n3A_63 {offsets = [2304, 0], sizes = [128, 16], strides = [1, 1]} : vector<4096x16xf32> to vector<128x16xf32>
    %slice3A_98 = vector.extract_strided_slice %select_n3A_63 {offsets = [2432, 0], sizes = [128, 16], strides = [1, 1]} : vector<4096x16xf32> to vector<128x16xf32>
    %slice3A_99 = vector.extract_strided_slice %select_n3A_63 {offsets = [2560, 0], sizes = [128, 16], strides = [1, 1]} : vector<4096x16xf32> to vector<128x16xf32>
    %slice3A_100 = vector.extract_strided_slice %select_n3A_63 {offsets = [2688, 0], sizes = [128, 16], strides = [1, 1]} : vector<4096x16xf32> to vector<128x16xf32>
    %slice3A_101 = vector.extract_strided_slice %select_n3A_63 {offsets = [2816, 0], sizes = [128, 16], strides = [1, 1]} : vector<4096x16xf32> to vector<128x16xf32>
    %slice3A_102 = vector.extract_strided_slice %select_n3A_63 {offsets = [2944, 0], sizes = [128, 16], strides = [1, 1]} : vector<4096x16xf32> to vector<128x16xf32>
    %slice3A_103 = vector.extract_strided_slice %select_n3A_63 {offsets = [3072, 0], sizes = [128, 16], strides = [1, 1]} : vector<4096x16xf32> to vector<128x16xf32>
    %slice3A_104 = vector.extract_strided_slice %select_n3A_63 {offsets = [3200, 0], sizes = [128, 16], strides = [1, 1]} : vector<4096x16xf32> to vector<128x16xf32>
    %slice3A_105 = vector.extract_strided_slice %select_n3A_63 {offsets = [3328, 0], sizes = [128, 16], strides = [1, 1]} : vector<4096x16xf32> to vector<128x16xf32>
    %slice3A_106 = vector.extract_strided_slice %select_n3A_63 {offsets = [3456, 0], sizes = [128, 16], strides = [1, 1]} : vector<4096x16xf32> to vector<128x16xf32>
    %slice3A_107 = vector.extract_strided_slice %select_n3A_63 {offsets = [3584, 0], sizes = [128, 16], strides = [1, 1]} : vector<4096x16xf32> to vector<128x16xf32>
    %slice3A_108 = vector.extract_strided_slice %select_n3A_63 {offsets = [3712, 0], sizes = [128, 16], strides = [1, 1]} : vector<4096x16xf32> to vector<128x16xf32>
    %slice3A_109 = vector.extract_strided_slice %select_n3A_63 {offsets = [3840, 0], sizes = [128, 16], strides = [1, 1]} : vector<4096x16xf32> to vector<128x16xf32>
    %slice3A_110 = vector.extract_strided_slice %select_n3A_63 {offsets = [3968, 0], sizes = [128, 16], strides = [1, 1]} : vector<4096x16xf32> to vector<128x16xf32>
    %reduce_sum3A_111 = arith.constant dense<0.000000e+00> : vector<16xf32>
    %reduce_sum3A_112 = vector.multi_reduction <add>, %slice3A_79, %reduce_sum3A_111 [0] : vector<128x16xf32> to vector<16xf32>
    %broadcast_in_dim3A_113 = vector.shape_cast %reduce_sum3A_112 : vector<16xf32> to vector<1x16xf32>
    %reduce_sum3A_114 = arith.constant dense<0.000000e+00> : vector<16xf32>
    %reduce_sum3A_115 = vector.multi_reduction <add>, %slice3A_80, %reduce_sum3A_114 [0] : vector<128x16xf32> to vector<16xf32>
    %broadcast_in_dim3A_116 = vector.shape_cast %reduce_sum3A_115 : vector<16xf32> to vector<1x16xf32>
    %reduce_sum3A_117 = arith.constant dense<0.000000e+00> : vector<16xf32>
    %reduce_sum3A_118 = vector.multi_reduction <add>, %slice3A_81, %reduce_sum3A_117 [0] : vector<128x16xf32> to vector<16xf32>
    %broadcast_in_dim3A_119 = vector.shape_cast %reduce_sum3A_118 : vector<16xf32> to vector<1x16xf32>
    %reduce_sum3A_120 = arith.constant dense<0.000000e+00> : vector<16xf32>
    %reduce_sum3A_121 = vector.multi_reduction <add>, %slice3A_82, %reduce_sum3A_120 [0] : vector<128x16xf32> to vector<16xf32>
    %broadcast_in_dim3A_122 = vector.shape_cast %reduce_sum3A_121 : vector<16xf32> to vector<1x16xf32>
    %reduce_sum3A_123 = arith.constant dense<0.000000e+00> : vector<16xf32>
    %reduce_sum3A_124 = vector.multi_reduction <add>, %slice3A_83, %reduce_sum3A_123 [0] : vector<128x16xf32> to vector<16xf32>
    %broadcast_in_dim3A_125 = vector.shape_cast %reduce_sum3A_124 : vector<16xf32> to vector<1x16xf32>
    %reduce_sum3A_126 = arith.constant dense<0.000000e+00> : vector<16xf32>
    %reduce_sum3A_127 = vector.multi_reduction <add>, %slice3A_84, %reduce_sum3A_126 [0] : vector<128x16xf32> to vector<16xf32>
    %broadcast_in_dim3A_128 = vector.shape_cast %reduce_sum3A_127 : vector<16xf32> to vector<1x16xf32>
    %reduce_sum3A_129 = arith.constant dense<0.000000e+00> : vector<16xf32>
    %reduce_sum3A_130 = vector.multi_reduction <add>, %slice3A_85, %reduce_sum3A_129 [0] : vector<128x16xf32> to vector<16xf32>
    %broadcast_in_dim3A_131 = vector.shape_cast %reduce_sum3A_130 : vector<16xf32> to vector<1x16xf32>
    %reduce_sum3A_132 = arith.constant dense<0.000000e+00> : vector<16xf32>
    %reduce_sum3A_133 = vector.multi_reduction <add>, %slice3A_86, %reduce_sum3A_132 [0] : vector<128x16xf32> to vector<16xf32>
    %broadcast_in_dim3A_134 = vector.shape_cast %reduce_sum3A_133 : vector<16xf32> to vector<1x16xf32>
    %reduce_sum3A_135 = arith.constant dense<0.000000e+00> : vector<16xf32>
    %reduce_sum3A_136 = vector.multi_reduction <add>, %slice3A_87, %reduce_sum3A_135 [0] : vector<128x16xf32> to vector<16xf32>
    %broadcast_in_dim3A_137 = vector.shape_cast %reduce_sum3A_136 : vector<16xf32> to vector<1x16xf32>
    %reduce_sum3A_138 = arith.constant dense<0.000000e+00> : vector<16xf32>
    %reduce_sum3A_139 = vector.multi_reduction <add>, %slice3A_88, %reduce_sum3A_138 [0] : vector<128x16xf32> to vector<16xf32>
    %broadcast_in_dim3A_140 = vector.shape_cast %reduce_sum3A_139 : vector<16xf32> to vector<1x16xf32>
    %reduce_sum3A_141 = arith.constant dense<0.000000e+00> : vector<16xf32>
    %reduce_sum3A_142 = vector.multi_reduction <add>, %slice3A_89, %reduce_sum3A_141 [0] : vector<128x16xf32> to vector<16xf32>
    %broadcast_in_dim3A_143 = vector.shape_cast %reduce_sum3A_142 : vector<16xf32> to vector<1x16xf32>
    %reduce_sum3A_144 = arith.constant dense<0.000000e+00> : vector<16xf32>
    %reduce_sum3A_145 = vector.multi_reduction <add>, %slice3A_90, %reduce_sum3A_144 [0] : vector<128x16xf32> to vector<16xf32>
    %broadcast_in_dim3A_146 = vector.shape_cast %reduce_sum3A_145 : vector<16xf32> to vector<1x16xf32>
    %reduce_sum3A_147 = arith.constant dense<0.000000e+00> : vector<16xf32>
    %reduce_sum3A_148 = vector.multi_reduction <add>, %slice3A_91, %reduce_sum3A_147 [0] : vector<128x16xf32> to vector<16xf32>
    %broadcast_in_dim3A_149 = vector.shape_cast %reduce_sum3A_148 : vector<16xf32> to vector<1x16xf32>
    %reduce_sum3A_150 = arith.constant dense<0.000000e+00> : vector<16xf32>
    %reduce_sum3A_151 = vector.multi_reduction <add>, %slice3A_92, %reduce_sum3A_150 [0] : vector<128x16xf32> to vector<16xf32>
    %broadcast_in_dim3A_152 = vector.shape_cast %reduce_sum3A_151 : vector<16xf32> to vector<1x16xf32>
    %reduce_sum3A_153 = arith.constant dense<0.000000e+00> : vector<16xf32>
    %reduce_sum3A_154 = vector.multi_reduction <add>, %slice3A_93, %reduce_sum3A_153 [0] : vector<128x16xf32> to vector<16xf32>
    %broadcast_in_dim3A_155 = vector.shape_cast %reduce_sum3A_154 : vector<16xf32> to vector<1x16xf32>
    %reduce_sum3A_156 = arith.constant dense<0.000000e+00> : vector<16xf32>
    %reduce_sum3A_157 = vector.multi_reduction <add>, %slice3A_94, %reduce_sum3A_156 [0] : vector<128x16xf32> to vector<16xf32>
    %broadcast_in_dim3A_158 = vector.shape_cast %reduce_sum3A_157 : vector<16xf32> to vector<1x16xf32>
    %reduce_sum3A_159 = arith.constant dense<0.000000e+00> : vector<16xf32>
    %reduce_sum3A_160 = vector.multi_reduction <add>, %slice3A_95, %reduce_sum3A_159 [0] : vector<128x16xf32> to vector<16xf32>
    %broadcast_in_dim3A_161 = vector.shape_cast %reduce_sum3A_160 : vector<16xf32> to vector<1x16xf32>
    %reduce_sum3A_162 = arith.constant dense<0.000000e+00> : vector<16xf32>
    %reduce_sum3A_163 = vector.multi_reduction <add>, %slice3A_96, %reduce_sum3A_162 [0] : vector<128x16xf32> to vector<16xf32>
    %broadcast_in_dim3A_164 = vector.shape_cast %reduce_sum3A_163 : vector<16xf32> to vector<1x16xf32>
    %reduce_sum3A_165 = arith.constant dense<0.000000e+00> : vector<16xf32>
    %reduce_sum3A_166 = vector.multi_reduction <add>, %slice3A_97, %reduce_sum3A_165 [0] : vector<128x16xf32> to vector<16xf32>
    %broadcast_in_dim3A_167 = vector.shape_cast %reduce_sum3A_166 : vector<16xf32> to vector<1x16xf32>
    %reduce_sum3A_168 = arith.constant dense<0.000000e+00> : vector<16xf32>
    %reduce_sum3A_169 = vector.multi_reduction <add>, %slice3A_98, %reduce_sum3A_168 [0] : vector<128x16xf32> to vector<16xf32>
    %broadcast_in_dim3A_170 = vector.shape_cast %reduce_sum3A_169 : vector<16xf32> to vector<1x16xf32>
    %reduce_sum3A_171 = arith.constant dense<0.000000e+00> : vector<16xf32>
    %reduce_sum3A_172 = vector.multi_reduction <add>, %slice3A_99, %reduce_sum3A_171 [0] : vector<128x16xf32> to vector<16xf32>
    %broadcast_in_dim3A_173 = vector.shape_cast %reduce_sum3A_172 : vector<16xf32> to vector<1x16xf32>
    %reduce_sum3A_174 = arith.constant dense<0.000000e+00> : vector<16xf32>
    %reduce_sum3A_175 = vector.multi_reduction <add>, %slice3A_100, %reduce_sum3A_174 [0] : vector<128x16xf32> to vector<16xf32>
    %broadcast_in_dim3A_176 = vector.shape_cast %reduce_sum3A_175 : vector<16xf32> to vector<1x16xf32>
    %reduce_sum3A_177 = arith.constant dense<0.000000e+00> : vector<16xf32>
    %reduce_sum3A_178 = vector.multi_reduction <add>, %slice3A_101, %reduce_sum3A_177 [0] : vector<128x16xf32> to vector<16xf32>
    %broadcast_in_dim3A_179 = vector.shape_cast %reduce_sum3A_178 : vector<16xf32> to vector<1x16xf32>
    %reduce_sum3A_180 = arith.constant dense<0.000000e+00> : vector<16xf32>
    %reduce_sum3A_181 = vector.multi_reduction <add>, %slice3A_102, %reduce_sum3A_180 [0] : vector<128x16xf32> to vector<16xf32>
    %broadcast_in_dim3A_182 = vector.shape_cast %reduce_sum3A_181 : vector<16xf32> to vector<1x16xf32>
    %reduce_sum3A_183 = arith.constant dense<0.000000e+00> : vector<16xf32>
    %reduce_sum3A_184 = vector.multi_reduction <add>, %slice3A_103, %reduce_sum3A_183 [0] : vector<128x16xf32> to vector<16xf32>
    %broadcast_in_dim3A_185 = vector.shape_cast %reduce_sum3A_184 : vector<16xf32> to vector<1x16xf32>
    %reduce_sum3A_186 = arith.constant dense<0.000000e+00> : vector<16xf32>
    %reduce_sum3A_187 = vector.multi_reduction <add>, %slice3A_104, %reduce_sum3A_186 [0] : vector<128x16xf32> to vector<16xf32>
    %broadcast_in_dim3A_188 = vector.shape_cast %reduce_sum3A_187 : vector<16xf32> to vector<1x16xf32>
    %reduce_sum3A_189 = arith.constant dense<0.000000e+00> : vector<16xf32>
    %reduce_sum3A_190 = vector.multi_reduction <add>, %slice3A_105, %reduce_sum3A_189 [0] : vector<128x16xf32> to vector<16xf32>
    %broadcast_in_dim3A_191 = vector.shape_cast %reduce_sum3A_190 : vector<16xf32> to vector<1x16xf32>
    %reduce_sum3A_192 = arith.constant dense<0.000000e+00> : vector<16xf32>
    %reduce_sum3A_193 = vector.multi_reduction <add>, %slice3A_106, %reduce_sum3A_192 [0] : vector<128x16xf32> to vector<16xf32>
    %broadcast_in_dim3A_194 = vector.shape_cast %reduce_sum3A_193 : vector<16xf32> to vector<1x16xf32>
    %reduce_sum3A_195 = arith.constant dense<0.000000e+00> : vector<16xf32>
    %reduce_sum3A_196 = vector.multi_reduction <add>, %slice3A_107, %reduce_sum3A_195 [0] : vector<128x16xf32> to vector<16xf32>
    %broadcast_in_dim3A_197 = vector.shape_cast %reduce_sum3A_196 : vector<16xf32> to vector<1x16xf32>
    %reduce_sum3A_198 = arith.constant dense<0.000000e+00> : vector<16xf32>
    %reduce_sum3A_199 = vector.multi_reduction <add>, %slice3A_108, %reduce_sum3A_198 [0] : vector<128x16xf32> to vector<16xf32>
    %broadcast_in_dim3A_200 = vector.shape_cast %reduce_sum3A_199 : vector<16xf32> to vector<1x16xf32>
    %reduce_sum3A_201 = arith.constant dense<0.000000e+00> : vector<16xf32>
    %reduce_sum3A_202 = vector.multi_reduction <add>, %slice3A_109, %reduce_sum3A_201 [0] : vector<128x16xf32> to vector<16xf32>
    %broadcast_in_dim3A_203 = vector.shape_cast %reduce_sum3A_202 : vector<16xf32> to vector<1x16xf32>
    %reduce_sum3A_204 = arith.constant dense<0.000000e+00> : vector<16xf32>
    %reduce_sum3A_205 = vector.multi_reduction <add>, %slice3A_110, %reduce_sum3A_204 [0] : vector<128x16xf32> to vector<16xf32>
    %broadcast_in_dim3A_206 = vector.shape_cast %reduce_sum3A_205 : vector<16xf32> to vector<1x16xf32>
    %concatenate3A_207 = tpu.concatenate %broadcast_in_dim3A_113, %broadcast_in_dim3A_116, %broadcast_in_dim3A_119, %broadcast_in_dim3A_122, %broadcast_in_dim3A_125, %broadcast_in_dim3A_128, %broadcast_in_dim3A_131, %broadcast_in_dim3A_134, %broadcast_in_dim3A_137, %broadcast_in_dim3A_140, %broadcast_in_dim3A_143, %broadcast_in_dim3A_146, %broadcast_in_dim3A_149, %broadcast_in_dim3A_152, %broadcast_in_dim3A_155, %broadcast_in_dim3A_158, %broadcast_in_dim3A_161, %broadcast_in_dim3A_164, %broadcast_in_dim3A_167, %broadcast_in_dim3A_170, %broadcast_in_dim3A_173, %broadcast_in_dim3A_176, %broadcast_in_dim3A_179, %broadcast_in_dim3A_182, %broadcast_in_dim3A_185, %broadcast_in_dim3A_188, %broadcast_in_dim3A_191, %broadcast_in_dim3A_194, %broadcast_in_dim3A_197, %broadcast_in_dim3A_200, %broadcast_in_dim3A_203, %broadcast_in_dim3A_206 in 0 : vector<1x16xf32>, vector<1x16xf32>, vector<1x16xf32>, vector<1x16xf32>, vector<1x16xf32>, vector<1x16xf32>, vector<1x16xf32>, vector<1x16xf32>, vector<1x16xf32>, vector<1x16xf32>, vector<1x16xf32>, vector<1x16xf32>, vector<1x16xf32>, vector<1x16xf32>, vector<1x16xf32>, vector<1x16xf32>, vector<1x16xf32>, vector<1x16xf32>, vector<1x16xf32>, vector<1x16xf32>, vector<1x16xf32>, vector<1x16xf32>, vector<1x16xf32>, vector<1x16xf32>, vector<1x16xf32>, vector<1x16xf32>, vector<1x16xf32>, vector<1x16xf32>, vector<1x16xf32>, vector<1x16xf32>, vector<1x16xf32>, vector<1x16xf32> -> vector<32x16xf32>
    %dot_general3A_208 = arith.constant dense<0.000000e+00> : vector<32x16xf32>
    %dot_general3A_209 = tpu.matmul %select_n3A_78, %concatenate3A_207, %dot_general3A_208 {dimension_numbers = #tpu.dot_dimension_numbers<[1], [0], [0], [1], [0, 0, 1, 1], [], []>, transpose_lhs_hint = false} : vector<32x32xf32>, vector<32x16xf32>, vector<32x16xf32> -> vector<32x16xf32>
    %dot_general3A_210 = arith.constant dense<0.000000e+00> : vector<128x16xf32>
    %dot_general3A_211 = tpu.matmul %select_n3A_70, %slice3A_79, %dot_general3A_210 {dimension_numbers = #tpu.dot_dimension_numbers<[1], [0], [0], [1], [0, 0, 1, 1], [], []>, transpose_lhs_hint = false} : vector<128x128xf32>, vector<128x16xf32>, vector<128x16xf32> -> vector<128x16xf32>
    %slice3A_212 = vector.extract_strided_slice %dot_general3A_209 {offsets = [0, 0], sizes = [1, 16], strides = [1, 1]} : vector<32x16xf32> to vector<1x16xf32>
    %add3A_213 = vector.broadcast %slice3A_212 : vector<1x16xf32> to vector<128x16xf32>
    %add3A_214 = arith.addf %dot_general3A_211, %add3A_213 : vector<128x16xf32>
    %dot_general3A_215 = arith.constant dense<0.000000e+00> : vector<128x16xf32>
    %dot_general3A_216 = tpu.matmul %select_n3A_70, %slice3A_80, %dot_general3A_215 {dimension_numbers = #tpu.dot_dimension_numbers<[1], [0], [0], [1], [0, 0, 1, 1], [], []>, transpose_lhs_hint = false} : vector<128x128xf32>, vector<128x16xf32>, vector<128x16xf32> -> vector<128x16xf32>
    %slice3A_217 = vector.extract_strided_slice %dot_general3A_209 {offsets = [1, 0], sizes = [1, 16], strides = [1, 1]} : vector<32x16xf32> to vector<1x16xf32>
    %add3A_218 = vector.broadcast %slice3A_217 : vector<1x16xf32> to vector<128x16xf32>
    %add3A_219 = arith.addf %dot_general3A_216, %add3A_218 : vector<128x16xf32>
    %dot_general3A_220 = arith.constant dense<0.000000e+00> : vector<128x16xf32>
    %dot_general3A_221 = tpu.matmul %select_n3A_70, %slice3A_81, %dot_general3A_220 {dimension_numbers = #tpu.dot_dimension_numbers<[1], [0], [0], [1], [0, 0, 1, 1], [], []>, transpose_lhs_hint = false} : vector<128x128xf32>, vector<128x16xf32>, vector<128x16xf32> -> vector<128x16xf32>
    %slice3A_222 = vector.extract_strided_slice %dot_general3A_209 {offsets = [2, 0], sizes = [1, 16], strides = [1, 1]} : vector<32x16xf32> to vector<1x16xf32>
    %add3A_223 = vector.broadcast %slice3A_222 : vector<1x16xf32> to vector<128x16xf32>
    %add3A_224 = arith.addf %dot_general3A_221, %add3A_223 : vector<128x16xf32>
    %dot_general3A_225 = arith.constant dense<0.000000e+00> : vector<128x16xf32>
    %dot_general3A_226 = tpu.matmul %select_n3A_70, %slice3A_82, %dot_general3A_225 {dimension_numbers = #tpu.dot_dimension_numbers<[1], [0], [0], [1], [0, 0, 1, 1], [], []>, transpose_lhs_hint = false} : vector<128x128xf32>, vector<128x16xf32>, vector<128x16xf32> -> vector<128x16xf32>
    %slice3A_227 = vector.extract_strided_slice %dot_general3A_209 {offsets = [3, 0], sizes = [1, 16], strides = [1, 1]} : vector<32x16xf32> to vector<1x16xf32>
    %add3A_228 = vector.broadcast %slice3A_227 : vector<1x16xf32> to vector<128x16xf32>
    %add3A_229 = arith.addf %dot_general3A_226, %add3A_228 : vector<128x16xf32>
    %dot_general3A_230 = arith.constant dense<0.000000e+00> : vector<128x16xf32>
    %dot_general3A_231 = tpu.matmul %select_n3A_70, %slice3A_83, %dot_general3A_230 {dimension_numbers = #tpu.dot_dimension_numbers<[1], [0], [0], [1], [0, 0, 1, 1], [], []>, transpose_lhs_hint = false} : vector<128x128xf32>, vector<128x16xf32>, vector<128x16xf32> -> vector<128x16xf32>
    %slice3A_232 = vector.extract_strided_slice %dot_general3A_209 {offsets = [4, 0], sizes = [1, 16], strides = [1, 1]} : vector<32x16xf32> to vector<1x16xf32>
    %add3A_233 = vector.broadcast %slice3A_232 : vector<1x16xf32> to vector<128x16xf32>
    %add3A_234 = arith.addf %dot_general3A_231, %add3A_233 : vector<128x16xf32>
    %dot_general3A_235 = arith.constant dense<0.000000e+00> : vector<128x16xf32>
    %dot_general3A_236 = tpu.matmul %select_n3A_70, %slice3A_84, %dot_general3A_235 {dimension_numbers = #tpu.dot_dimension_numbers<[1], [0], [0], [1], [0, 0, 1, 1], [], []>, transpose_lhs_hint = false} : vector<128x128xf32>, vector<128x16xf32>, vector<128x16xf32> -> vector<128x16xf32>
    %slice3A_237 = vector.extract_strided_slice %dot_general3A_209 {offsets = [5, 0], sizes = [1, 16], strides = [1, 1]} : vector<32x16xf32> to vector<1x16xf32>
    %add3A_238 = vector.broadcast %slice3A_237 : vector<1x16xf32> to vector<128x16xf32>
    %add3A_239 = arith.addf %dot_general3A_236, %add3A_238 : vector<128x16xf32>
    %dot_general3A_240 = arith.constant dense<0.000000e+00> : vector<128x16xf32>
    %dot_general3A_241 = tpu.matmul %select_n3A_70, %slice3A_85, %dot_general3A_240 {dimension_numbers = #tpu.dot_dimension_numbers<[1], [0], [0], [1], [0, 0, 1, 1], [], []>, transpose_lhs_hint = false} : vector<128x128xf32>, vector<128x16xf32>, vector<128x16xf32> -> vector<128x16xf32>
    %slice3A_242 = vector.extract_strided_slice %dot_general3A_209 {offsets = [6, 0], sizes = [1, 16], strides = [1, 1]} : vector<32x16xf32> to vector<1x16xf32>
    %add3A_243 = vector.broadcast %slice3A_242 : vector<1x16xf32> to vector<128x16xf32>
    %add3A_244 = arith.addf %dot_general3A_241, %add3A_243 : vector<128x16xf32>
    %dot_general3A_245 = arith.constant dense<0.000000e+00> : vector<128x16xf32>
    %dot_general3A_246 = tpu.matmul %select_n3A_70, %slice3A_86, %dot_general3A_245 {dimension_numbers = #tpu.dot_dimension_numbers<[1], [0], [0], [1], [0, 0, 1, 1], [], []>, transpose_lhs_hint = false} : vector<128x128xf32>, vector<128x16xf32>, vector<128x16xf32> -> vector<128x16xf32>
    %slice3A_247 = vector.extract_strided_slice %dot_general3A_209 {offsets = [7, 0], sizes = [1, 16], strides = [1, 1]} : vector<32x16xf32> to vector<1x16xf32>
    %add3A_248 = vector.broadcast %slice3A_247 : vector<1x16xf32> to vector<128x16xf32>
    %add3A_249 = arith.addf %dot_general3A_246, %add3A_248 : vector<128x16xf32>
    %dot_general3A_250 = arith.constant dense<0.000000e+00> : vector<128x16xf32>
    %dot_general3A_251 = tpu.matmul %select_n3A_70, %slice3A_87, %dot_general3A_250 {dimension_numbers = #tpu.dot_dimension_numbers<[1], [0], [0], [1], [0, 0, 1, 1], [], []>, transpose_lhs_hint = false} : vector<128x128xf32>, vector<128x16xf32>, vector<128x16xf32> -> vector<128x16xf32>
    %slice3A_252 = vector.extract_strided_slice %dot_general3A_209 {offsets = [8, 0], sizes = [1, 16], strides = [1, 1]} : vector<32x16xf32> to vector<1x16xf32>
    %add3A_253 = vector.broadcast %slice3A_252 : vector<1x16xf32> to vector<128x16xf32>
    %add3A_254 = arith.addf %dot_general3A_251, %add3A_253 : vector<128x16xf32>
    %dot_general3A_255 = arith.constant dense<0.000000e+00> : vector<128x16xf32>
    %dot_general3A_256 = tpu.matmul %select_n3A_70, %slice3A_88, %dot_general3A_255 {dimension_numbers = #tpu.dot_dimension_numbers<[1], [0], [0], [1], [0, 0, 1, 1], [], []>, transpose_lhs_hint = false} : vector<128x128xf32>, vector<128x16xf32>, vector<128x16xf32> -> vector<128x16xf32>
    %slice3A_257 = vector.extract_strided_slice %dot_general3A_209 {offsets = [9, 0], sizes = [1, 16], strides = [1, 1]} : vector<32x16xf32> to vector<1x16xf32>
    %add3A_258 = vector.broadcast %slice3A_257 : vector<1x16xf32> to vector<128x16xf32>
    %add3A_259 = arith.addf %dot_general3A_256, %add3A_258 : vector<128x16xf32>
    %dot_general3A_260 = arith.constant dense<0.000000e+00> : vector<128x16xf32>
    %dot_general3A_261 = tpu.matmul %select_n3A_70, %slice3A_89, %dot_general3A_260 {dimension_numbers = #tpu.dot_dimension_numbers<[1], [0], [0], [1], [0, 0, 1, 1], [], []>, transpose_lhs_hint = false} : vector<128x128xf32>, vector<128x16xf32>, vector<128x16xf32> -> vector<128x16xf32>
    %slice3A_262 = vector.extract_strided_slice %dot_general3A_209 {offsets = [10, 0], sizes = [1, 16], strides = [1, 1]} : vector<32x16xf32> to vector<1x16xf32>
    %add3A_263 = vector.broadcast %slice3A_262 : vector<1x16xf32> to vector<128x16xf32>
    %add3A_264 = arith.addf %dot_general3A_261, %add3A_263 : vector<128x16xf32>
    %dot_general3A_265 = arith.constant dense<0.000000e+00> : vector<128x16xf32>
    %dot_general3A_266 = tpu.matmul %select_n3A_70, %slice3A_90, %dot_general3A_265 {dimension_numbers = #tpu.dot_dimension_numbers<[1], [0], [0], [1], [0, 0, 1, 1], [], []>, transpose_lhs_hint = false} : vector<128x128xf32>, vector<128x16xf32>, vector<128x16xf32> -> vector<128x16xf32>
    %slice3A_267 = vector.extract_strided_slice %dot_general3A_209 {offsets = [11, 0], sizes = [1, 16], strides = [1, 1]} : vector<32x16xf32> to vector<1x16xf32>
    %add3A_268 = vector.broadcast %slice3A_267 : vector<1x16xf32> to vector<128x16xf32>
    %add3A_269 = arith.addf %dot_general3A_266, %add3A_268 : vector<128x16xf32>
    %dot_general3A_270 = arith.constant dense<0.000000e+00> : vector<128x16xf32>
    %dot_general3A_271 = tpu.matmul %select_n3A_70, %slice3A_91, %dot_general3A_270 {dimension_numbers = #tpu.dot_dimension_numbers<[1], [0], [0], [1], [0, 0, 1, 1], [], []>, transpose_lhs_hint = false} : vector<128x128xf32>, vector<128x16xf32>, vector<128x16xf32> -> vector<128x16xf32>
    %slice3A_272 = vector.extract_strided_slice %dot_general3A_209 {offsets = [12, 0], sizes = [1, 16], strides = [1, 1]} : vector<32x16xf32> to vector<1x16xf32>
    %add3A_273 = vector.broadcast %slice3A_272 : vector<1x16xf32> to vector<128x16xf32>
    %add3A_274 = arith.addf %dot_general3A_271, %add3A_273 : vector<128x16xf32>
    %dot_general3A_275 = arith.constant dense<0.000000e+00> : vector<128x16xf32>
    %dot_general3A_276 = tpu.matmul %select_n3A_70, %slice3A_92, %dot_general3A_275 {dimension_numbers = #tpu.dot_dimension_numbers<[1], [0], [0], [1], [0, 0, 1, 1], [], []>, transpose_lhs_hint = false} : vector<128x128xf32>, vector<128x16xf32>, vector<128x16xf32> -> vector<128x16xf32>
    %slice3A_277 = vector.extract_strided_slice %dot_general3A_209 {offsets = [13, 0], sizes = [1, 16], strides = [1, 1]} : vector<32x16xf32> to vector<1x16xf32>
    %add3A_278 = vector.broadcast %slice3A_277 : vector<1x16xf32> to vector<128x16xf32>
    %add3A_279 = arith.addf %dot_general3A_276, %add3A_278 : vector<128x16xf32>
    %dot_general3A_280 = arith.constant dense<0.000000e+00> : vector<128x16xf32>
    %dot_general3A_281 = tpu.matmul %select_n3A_70, %slice3A_93, %dot_general3A_280 {dimension_numbers = #tpu.dot_dimension_numbers<[1], [0], [0], [1], [0, 0, 1, 1], [], []>, transpose_lhs_hint = false} : vector<128x128xf32>, vector<128x16xf32>, vector<128x16xf32> -> vector<128x16xf32>
    %slice3A_282 = vector.extract_strided_slice %dot_general3A_209 {offsets = [14, 0], sizes = [1, 16], strides = [1, 1]} : vector<32x16xf32> to vector<1x16xf32>
    %add3A_283 = vector.broadcast %slice3A_282 : vector<1x16xf32> to vector<128x16xf32>
    %add3A_284 = arith.addf %dot_general3A_281, %add3A_283 : vector<128x16xf32>
    %dot_general3A_285 = arith.constant dense<0.000000e+00> : vector<128x16xf32>
    %dot_general3A_286 = tpu.matmul %select_n3A_70, %slice3A_94, %dot_general3A_285 {dimension_numbers = #tpu.dot_dimension_numbers<[1], [0], [0], [1], [0, 0, 1, 1], [], []>, transpose_lhs_hint = false} : vector<128x128xf32>, vector<128x16xf32>, vector<128x16xf32> -> vector<128x16xf32>
    %slice3A_287 = vector.extract_strided_slice %dot_general3A_209 {offsets = [15, 0], sizes = [1, 16], strides = [1, 1]} : vector<32x16xf32> to vector<1x16xf32>
    %add3A_288 = vector.broadcast %slice3A_287 : vector<1x16xf32> to vector<128x16xf32>
    %add3A_289 = arith.addf %dot_general3A_286, %add3A_288 : vector<128x16xf32>
    %dot_general3A_290 = arith.constant dense<0.000000e+00> : vector<128x16xf32>
    %dot_general3A_291 = tpu.matmul %select_n3A_70, %slice3A_95, %dot_general3A_290 {dimension_numbers = #tpu.dot_dimension_numbers<[1], [0], [0], [1], [0, 0, 1, 1], [], []>, transpose_lhs_hint = false} : vector<128x128xf32>, vector<128x16xf32>, vector<128x16xf32> -> vector<128x16xf32>
    %slice3A_292 = vector.extract_strided_slice %dot_general3A_209 {offsets = [16, 0], sizes = [1, 16], strides = [1, 1]} : vector<32x16xf32> to vector<1x16xf32>
    %add3A_293 = vector.broadcast %slice3A_292 : vector<1x16xf32> to vector<128x16xf32>
    %add3A_294 = arith.addf %dot_general3A_291, %add3A_293 : vector<128x16xf32>
    %dot_general3A_295 = arith.constant dense<0.000000e+00> : vector<128x16xf32>
    %dot_general3A_296 = tpu.matmul %select_n3A_70, %slice3A_96, %dot_general3A_295 {dimension_numbers = #tpu.dot_dimension_numbers<[1], [0], [0], [1], [0, 0, 1, 1], [], []>, transpose_lhs_hint = false} : vector<128x128xf32>, vector<128x16xf32>, vector<128x16xf32> -> vector<128x16xf32>
    %slice3A_297 = vector.extract_strided_slice %dot_general3A_209 {offsets = [17, 0], sizes = [1, 16], strides = [1, 1]} : vector<32x16xf32> to vector<1x16xf32>
    %add3A_298 = vector.broadcast %slice3A_297 : vector<1x16xf32> to vector<128x16xf32>
    %add3A_299 = arith.addf %dot_general3A_296, %add3A_298 : vector<128x16xf32>
    %dot_general3A_300 = arith.constant dense<0.000000e+00> : vector<128x16xf32>
    %dot_general3A_301 = tpu.matmul %select_n3A_70, %slice3A_97, %dot_general3A_300 {dimension_numbers = #tpu.dot_dimension_numbers<[1], [0], [0], [1], [0, 0, 1, 1], [], []>, transpose_lhs_hint = false} : vector<128x128xf32>, vector<128x16xf32>, vector<128x16xf32> -> vector<128x16xf32>
    %slice3A_302 = vector.extract_strided_slice %dot_general3A_209 {offsets = [18, 0], sizes = [1, 16], strides = [1, 1]} : vector<32x16xf32> to vector<1x16xf32>
    %add3A_303 = vector.broadcast %slice3A_302 : vector<1x16xf32> to vector<128x16xf32>
    %add3A_304 = arith.addf %dot_general3A_301, %add3A_303 : vector<128x16xf32>
    %dot_general3A_305 = arith.constant dense<0.000000e+00> : vector<128x16xf32>
    %dot_general3A_306 = tpu.matmul %select_n3A_70, %slice3A_98, %dot_general3A_305 {dimension_numbers = #tpu.dot_dimension_numbers<[1], [0], [0], [1], [0, 0, 1, 1], [], []>, transpose_lhs_hint = false} : vector<128x128xf32>, vector<128x16xf32>, vector<128x16xf32> -> vector<128x16xf32>
    %slice3A_307 = vector.extract_strided_slice %dot_general3A_209 {offsets = [19, 0], sizes = [1, 16], strides = [1, 1]} : vector<32x16xf32> to vector<1x16xf32>
    %add3A_308 = vector.broadcast %slice3A_307 : vector<1x16xf32> to vector<128x16xf32>
    %add3A_309 = arith.addf %dot_general3A_306, %add3A_308 : vector<128x16xf32>
    %dot_general3A_310 = arith.constant dense<0.000000e+00> : vector<128x16xf32>
    %dot_general3A_311 = tpu.matmul %select_n3A_70, %slice3A_99, %dot_general3A_310 {dimension_numbers = #tpu.dot_dimension_numbers<[1], [0], [0], [1], [0, 0, 1, 1], [], []>, transpose_lhs_hint = false} : vector<128x128xf32>, vector<128x16xf32>, vector<128x16xf32> -> vector<128x16xf32>
    %slice3A_312 = vector.extract_strided_slice %dot_general3A_209 {offsets = [20, 0], sizes = [1, 16], strides = [1, 1]} : vector<32x16xf32> to vector<1x16xf32>
    %add3A_313 = vector.broadcast %slice3A_312 : vector<1x16xf32> to vector<128x16xf32>
    %add3A_314 = arith.addf %dot_general3A_311, %add3A_313 : vector<128x16xf32>
    %dot_general3A_315 = arith.constant dense<0.000000e+00> : vector<128x16xf32>
    %dot_general3A_316 = tpu.matmul %select_n3A_70, %slice3A_100, %dot_general3A_315 {dimension_numbers = #tpu.dot_dimension_numbers<[1], [0], [0], [1], [0, 0, 1, 1], [], []>, transpose_lhs_hint = false} : vector<128x128xf32>, vector<128x16xf32>, vector<128x16xf32> -> vector<128x16xf32>
    %slice3A_317 = vector.extract_strided_slice %dot_general3A_209 {offsets = [21, 0], sizes = [1, 16], strides = [1, 1]} : vector<32x16xf32> to vector<1x16xf32>
    %add3A_318 = vector.broadcast %slice3A_317 : vector<1x16xf32> to vector<128x16xf32>
    %add3A_319 = arith.addf %dot_general3A_316, %add3A_318 : vector<128x16xf32>
    %dot_general3A_320 = arith.constant dense<0.000000e+00> : vector<128x16xf32>
    %dot_general3A_321 = tpu.matmul %select_n3A_70, %slice3A_101, %dot_general3A_320 {dimension_numbers = #tpu.dot_dimension_numbers<[1], [0], [0], [1], [0, 0, 1, 1], [], []>, transpose_lhs_hint = false} : vector<128x128xf32>, vector<128x16xf32>, vector<128x16xf32> -> vector<128x16xf32>
    %slice3A_322 = vector.extract_strided_slice %dot_general3A_209 {offsets = [22, 0], sizes = [1, 16], strides = [1, 1]} : vector<32x16xf32> to vector<1x16xf32>
    %add3A_323 = vector.broadcast %slice3A_322 : vector<1x16xf32> to vector<128x16xf32>
    %add3A_324 = arith.addf %dot_general3A_321, %add3A_323 : vector<128x16xf32>
    %dot_general3A_325 = arith.constant dense<0.000000e+00> : vector<128x16xf32>
    %dot_general3A_326 = tpu.matmul %select_n3A_70, %slice3A_102, %dot_general3A_325 {dimension_numbers = #tpu.dot_dimension_numbers<[1], [0], [0], [1], [0, 0, 1, 1], [], []>, transpose_lhs_hint = false} : vector<128x128xf32>, vector<128x16xf32>, vector<128x16xf32> -> vector<128x16xf32>
    %slice3A_327 = vector.extract_strided_slice %dot_general3A_209 {offsets = [23, 0], sizes = [1, 16], strides = [1, 1]} : vector<32x16xf32> to vector<1x16xf32>
    %add3A_328 = vector.broadcast %slice3A_327 : vector<1x16xf32> to vector<128x16xf32>
    %add3A_329 = arith.addf %dot_general3A_326, %add3A_328 : vector<128x16xf32>
    %dot_general3A_330 = arith.constant dense<0.000000e+00> : vector<128x16xf32>
    %dot_general3A_331 = tpu.matmul %select_n3A_70, %slice3A_103, %dot_general3A_330 {dimension_numbers = #tpu.dot_dimension_numbers<[1], [0], [0], [1], [0, 0, 1, 1], [], []>, transpose_lhs_hint = false} : vector<128x128xf32>, vector<128x16xf32>, vector<128x16xf32> -> vector<128x16xf32>
    %slice3A_332 = vector.extract_strided_slice %dot_general3A_209 {offsets = [24, 0], sizes = [1, 16], strides = [1, 1]} : vector<32x16xf32> to vector<1x16xf32>
    %add3A_333 = vector.broadcast %slice3A_332 : vector<1x16xf32> to vector<128x16xf32>
    %add3A_334 = arith.addf %dot_general3A_331, %add3A_333 : vector<128x16xf32>
    %dot_general3A_335 = arith.constant dense<0.000000e+00> : vector<128x16xf32>
    %dot_general3A_336 = tpu.matmul %select_n3A_70, %slice3A_104, %dot_general3A_335 {dimension_numbers = #tpu.dot_dimension_numbers<[1], [0], [0], [1], [0, 0, 1, 1], [], []>, transpose_lhs_hint = false} : vector<128x128xf32>, vector<128x16xf32>, vector<128x16xf32> -> vector<128x16xf32>
    %slice3A_337 = vector.extract_strided_slice %dot_general3A_209 {offsets = [25, 0], sizes = [1, 16], strides = [1, 1]} : vector<32x16xf32> to vector<1x16xf32>
    %add3A_338 = vector.broadcast %slice3A_337 : vector<1x16xf32> to vector<128x16xf32>
    %add3A_339 = arith.addf %dot_general3A_336, %add3A_338 : vector<128x16xf32>
    %dot_general3A_340 = arith.constant dense<0.000000e+00> : vector<128x16xf32>
    %dot_general3A_341 = tpu.matmul %select_n3A_70, %slice3A_105, %dot_general3A_340 {dimension_numbers = #tpu.dot_dimension_numbers<[1], [0], [0], [1], [0, 0, 1, 1], [], []>, transpose_lhs_hint = false} : vector<128x128xf32>, vector<128x16xf32>, vector<128x16xf32> -> vector<128x16xf32>
    %slice3A_342 = vector.extract_strided_slice %dot_general3A_209 {offsets = [26, 0], sizes = [1, 16], strides = [1, 1]} : vector<32x16xf32> to vector<1x16xf32>
    %add3A_343 = vector.broadcast %slice3A_342 : vector<1x16xf32> to vector<128x16xf32>
    %add3A_344 = arith.addf %dot_general3A_341, %add3A_343 : vector<128x16xf32>
    %dot_general3A_345 = arith.constant dense<0.000000e+00> : vector<128x16xf32>
    %dot_general3A_346 = tpu.matmul %select_n3A_70, %slice3A_106, %dot_general3A_345 {dimension_numbers = #tpu.dot_dimension_numbers<[1], [0], [0], [1], [0, 0, 1, 1], [], []>, transpose_lhs_hint = false} : vector<128x128xf32>, vector<128x16xf32>, vector<128x16xf32> -> vector<128x16xf32>
    %slice3A_347 = vector.extract_strided_slice %dot_general3A_209 {offsets = [27, 0], sizes = [1, 16], strides = [1, 1]} : vector<32x16xf32> to vector<1x16xf32>
    %add3A_348 = vector.broadcast %slice3A_347 : vector<1x16xf32> to vector<128x16xf32>
    %add3A_349 = arith.addf %dot_general3A_346, %add3A_348 : vector<128x16xf32>
    %dot_general3A_350 = arith.constant dense<0.000000e+00> : vector<128x16xf32>
    %dot_general3A_351 = tpu.matmul %select_n3A_70, %slice3A_107, %dot_general3A_350 {dimension_numbers = #tpu.dot_dimension_numbers<[1], [0], [0], [1], [0, 0, 1, 1], [], []>, transpose_lhs_hint = false} : vector<128x128xf32>, vector<128x16xf32>, vector<128x16xf32> -> vector<128x16xf32>
    %slice3A_352 = vector.extract_strided_slice %dot_general3A_209 {offsets = [28, 0], sizes = [1, 16], strides = [1, 1]} : vector<32x16xf32> to vector<1x16xf32>
    %add3A_353 = vector.broadcast %slice3A_352 : vector<1x16xf32> to vector<128x16xf32>
    %add3A_354 = arith.addf %dot_general3A_351, %add3A_353 : vector<128x16xf32>
    %dot_general3A_355 = arith.constant dense<0.000000e+00> : vector<128x16xf32>
    %dot_general3A_356 = tpu.matmul %select_n3A_70, %slice3A_108, %dot_general3A_355 {dimension_numbers = #tpu.dot_dimension_numbers<[1], [0], [0], [1], [0, 0, 1, 1], [], []>, transpose_lhs_hint = false} : vector<128x128xf32>, vector<128x16xf32>, vector<128x16xf32> -> vector<128x16xf32>
    %slice3A_357 = vector.extract_strided_slice %dot_general3A_209 {offsets = [29, 0], sizes = [1, 16], strides = [1, 1]} : vector<32x16xf32> to vector<1x16xf32>
    %add3A_358 = vector.broadcast %slice3A_357 : vector<1x16xf32> to vector<128x16xf32>
    %add3A_359 = arith.addf %dot_general3A_356, %add3A_358 : vector<128x16xf32>
    %dot_general3A_360 = arith.constant dense<0.000000e+00> : vector<128x16xf32>
    %dot_general3A_361 = tpu.matmul %select_n3A_70, %slice3A_109, %dot_general3A_360 {dimension_numbers = #tpu.dot_dimension_numbers<[1], [0], [0], [1], [0, 0, 1, 1], [], []>, transpose_lhs_hint = false} : vector<128x128xf32>, vector<128x16xf32>, vector<128x16xf32> -> vector<128x16xf32>
    %slice3A_362 = vector.extract_strided_slice %dot_general3A_209 {offsets = [30, 0], sizes = [1, 16], strides = [1, 1]} : vector<32x16xf32> to vector<1x16xf32>
    %add3A_363 = vector.broadcast %slice3A_362 : vector<1x16xf32> to vector<128x16xf32>
    %add3A_364 = arith.addf %dot_general3A_361, %add3A_363 : vector<128x16xf32>
    %dot_general3A_365 = arith.constant dense<0.000000e+00> : vector<128x16xf32>
    %dot_general3A_366 = tpu.matmul %select_n3A_70, %slice3A_110, %dot_general3A_365 {dimension_numbers = #tpu.dot_dimension_numbers<[1], [0], [0], [1], [0, 0, 1, 1], [], []>, transpose_lhs_hint = false} : vector<128x128xf32>, vector<128x16xf32>, vector<128x16xf32> -> vector<128x16xf32>
    %slice3A_367 = vector.extract_strided_slice %dot_general3A_209 {offsets = [31, 0], sizes = [1, 16], strides = [1, 1]} : vector<32x16xf32> to vector<1x16xf32>
    %add3A_368 = vector.broadcast %slice3A_367 : vector<1x16xf32> to vector<128x16xf32>
    %add3A_369 = arith.addf %dot_general3A_366, %add3A_368 : vector<128x16xf32>
    %concatenate3A_370 = tpu.concatenate %add3A_214, %add3A_219, %add3A_224, %add3A_229, %add3A_234, %add3A_239, %add3A_244, %add3A_249, %add3A_254, %add3A_259, %add3A_264, %add3A_269, %add3A_274, %add3A_279, %add3A_284, %add3A_289, %add3A_294, %add3A_299, %add3A_304, %add3A_309, %add3A_314, %add3A_319, %add3A_324, %add3A_329, %add3A_334, %add3A_339, %add3A_344, %add3A_349, %add3A_354, %add3A_359, %add3A_364, %add3A_369 in 0 : vector<128x16xf32>, vector<128x16xf32>, vector<128x16xf32>, vector<128x16xf32>, vector<128x16xf32>, vector<128x16xf32>, vector<128x16xf32>, vector<128x16xf32>, vector<128x16xf32>, vector<128x16xf32>, vector<128x16xf32>, vector<128x16xf32>, vector<128x16xf32>, vector<128x16xf32>, vector<128x16xf32>, vector<128x16xf32>, vector<128x16xf32>, vector<128x16xf32>, vector<128x16xf32>, vector<128x16xf32>, vector<128x16xf32>, vector<128x16xf32>, vector<128x16xf32>, vector<128x16xf32>, vector<128x16xf32>, vector<128x16xf32>, vector<128x16xf32>, vector<128x16xf32>, vector<128x16xf32>, vector<128x16xf32>, vector<128x16xf32>, vector<128x16xf32> -> vector<4096x16xf32>
    %reduce_sum3A_371 = arith.constant dense<0.000000e+00> : vector<16xf32>
    %reduce_sum3A_372 = vector.multi_reduction <add>, %concatenate3A_207, %reduce_sum3A_371 [0] : vector<32x16xf32> to vector<16xf32>
    %broadcast_in_dim3A_373 = vector.shape_cast %reduce_sum3A_372 : vector<16xf32> to vector<1x16xf32>
    %convert_element_type3A = arith.fptosi %broadcast_in_dim3A_373 : vector<1x16xf32> to vector<1x16xi32>
    %add3A_374 = arith.constant 255 : i32
    %add3A_375 = vector.broadcast %add3A_374 : i32 to vector<1x16xi32>
    %add3A_376 = arith.addi %convert_element_type3A, %add3A_375 : vector<1x16xi32>
    %jit3A_377 = arith.constant 256 : i32
    %div3A_378 = vector.broadcast %jit3A_377 : i32 to vector<1x16xi32>
    %div3A_379 = arith.divsi %add3A_376, %div3A_378 : vector<1x16xi32>
    %sign3A = arith.constant 0 : i32
    %sign3A_380 = vector.broadcast %sign3A : i32 to vector<1x16xi32>
    %sign3A_381 = arith.cmpi sgt, %add3A_376, %sign3A_380 : vector<1x16xi32>
    %sign3A_382 = arith.extui %sign3A_381 : vector<1x16xi1> to vector<1x16xi32>
    %sign3A_383 = arith.constant 0 : i32
    %sign3A_384 = vector.broadcast %sign3A_383 : i32 to vector<1x16xi32>
    %sign3A_385 = arith.cmpi slt, %add3A_376, %sign3A_384 : vector<1x16xi32>
    %sign3A_386 = arith.extui %sign3A_385 : vector<1x16xi1> to vector<1x16xi32>
    %sign3A_387 = arith.subi %sign3A_382, %sign3A_386 : vector<1x16xi32>
    %sign3A_388 = arith.constant 0 : i32
    %sign3A_389 = arith.cmpi sgt, %jit3A_377, %sign3A_388 : i32
    %sign3A_390 = arith.extui %sign3A_389 : i1 to i32
    %sign3A_391 = arith.constant 0 : i32
    %sign3A_392 = arith.cmpi slt, %jit3A_377, %sign3A_391 : i32
    %sign3A_393 = arith.extui %sign3A_392 : i1 to i32
    %sign3A_394 = arith.subi %sign3A_390, %sign3A_393 : i32
    %ne3A = vector.broadcast %sign3A_394 : i32 to vector<1x16xi32>
    %ne3A_395 = arith.cmpi ne, %sign3A_387, %ne3A : vector<1x16xi32>
    %rem3A = vector.broadcast %jit3A_377 : i32 to vector<1x16xi32>
    %rem3A_396 = arith.remsi %add3A_376, %rem3A : vector<1x16xi32>
    %ne3A_397 = arith.constant 0 : i32
    %ne3A_398 = vector.broadcast %ne3A_397 : i32 to vector<1x16xi32>
    %ne3A_399 = arith.cmpi ne, %rem3A_396, %ne3A_398 : vector<1x16xi32>
    %and3A = arith.andi %ne3A_395, %ne3A_399 : vector<1x16xi1>
    %sub3A_400 = arith.constant 1 : i32
    %sub3A_401 = vector.broadcast %sub3A_400 : i32 to vector<1x16xi32>
    %sub3A_402 = arith.subi %div3A_379, %sub3A_401 : vector<1x16xi32>
    %select_n3A_403 = arith.select %and3A, %sub3A_402, %div3A_379 : vector<1x16xi1>, vector<1x16xi32>
    %iota3A_404 = tpu.iota {dimensions = array<i32: 0>} : vector<16x16xi32>
    %iota3A_405 = tpu.iota {dimensions = array<i32: 1>} : vector<16x16xi32>
    %lt3A_406 = arith.cmpi slt, %iota3A_404, %iota3A_405 : vector<16x16xi32>
    %jit3A_407 = arith.constant 1.000000e+00 : f32
    %jit3A_408 = arith.constant 0.000000e+00 : f32
    %broadcast_in_dim3A_409 = vector.broadcast %jit3A_407 : f32 to vector<16x16xf32>
    %broadcast_in_dim3A_410 = vector.broadcast %jit3A_408 : f32 to vector<16x16xf32>
    %select_n3A_411 = arith.select %lt3A_406, %broadcast_in_dim3A_409, %broadcast_in_dim3A_410 : vector<16x16xi1>, vector<16x16xf32>
    %convert_element_type3A_412 = arith.sitofp %select_n3A_403 : vector<1x16xi32> to vector<1x16xf32>
    %dot_general3A_413 = arith.constant dense<0.000000e+00> : vector<1x16xf32>
    %dot_general3A_414 = tpu.matmul %convert_element_type3A_412, %select_n3A_411, %dot_general3A_413 {dimension_numbers = #tpu.dot_dimension_numbers<[1], [0], [0], [1], [0, 0, 1, 1], [], []>, transpose_lhs_hint = false} : vector<1x16xf32>, vector<16x16xf32>, vector<1x16xf32> -> vector<1x16xf32>
    %mul3A = arith.constant 2.560000e+02 : f32
    %mul3A_415 = vector.broadcast %mul3A : f32 to vector<1x16xf32>
    %mul3A_416 = arith.mulf %dot_general3A_414, %mul3A_415 : vector<1x16xf32>
    %add3A_417 = vector.broadcast %mul3A_416 : vector<1x16xf32> to vector<4096x16xf32>
    %add3A_418 = arith.addf %concatenate3A_370, %add3A_417 : vector<4096x16xf32>
    %mul3A_419 = arith.mulf %select_n3A_63, %add3A_418 : vector<4096x16xf32>
    %reduce_sum3A_420 = arith.constant dense<0.000000e+00> : vector<4096xf32>
    %reduce_sum3A_421 = vector.multi_reduction <add>, %mul3A_419, %reduce_sum3A_420 [1] : vector<4096x16xf32> to vector<4096xf32>
    %broadcast_in_dim3A_422 = vector.shape_cast %reduce_sum3A_421 : vector<4096xf32> to vector<4096x1xf32>
    %convert_element_type3A_423 = arith.fptosi %broadcast_in_dim3A_422 : vector<4096x1xf32> to vector<4096x1xi32>
    %slice3A_424 = vector.extract_strided_slice %convert_element_type3A_423 {offsets = [0, 0], sizes = [2048, 1], strides = [1, 1]} : vector<4096x1xi32> to vector<2048x1xi32>
    %swap3A_425 = arith.constant 0 : index
    %swap3A_426 = arith.constant 0 : index
    %swap3A_427 = vector.load %arg3[%swap3A_425, %swap3A_426] : memref<2048x1xi32, #tpu.memory_space<vmem>>, vector<2048x1xi32>
    tpu.vector_store %arg3[%swap3A_425, %swap3A_426], %slice3A_424 {strides = array<i32>} : memref<2048x1xi32, #tpu.memory_space<vmem>>, vector<2048x1xi32>,
    %slice3A_428 = vector.extract_strided_slice %convert_element_type3A_423 {offsets = [2048, 0], sizes = [2048, 1], strides = [1, 1]} : vector<4096x1xi32> to vector<2048x1xi32>
    %swap3A_429 = arith.constant 0 : index
    %swap3A_430 = arith.constant 0 : index
    %swap3A_431 = vector.load %arg4[%swap3A_429, %swap3A_430] : memref<2048x1xi32, #tpu.memory_space<vmem>>, vector<2048x1xi32>
    tpu.vector_store %arg4[%swap3A_429, %swap3A_430], %slice3A_428 {strides = array<i32>} : memref<2048x1xi32, #tpu.memory_space<vmem>>, vector<2048x1xi32>,
    %reduce_sum3A_432 = arith.constant dense<0> : vector<1xi32>
    %reduce_sum3A_433 = vector.multi_reduction <add>, %select_n3A_403, %reduce_sum3A_432 [1] : vector<1x16xi32> to vector<1xi32>
    %broadcast_in_dim3A_434 = vector.shape_cast %reduce_sum3A_433 : vector<1xi32> to vector<1x1xi32>
    %swap3A_435 = arith.constant 0 : index
    %swap3A_436 = arith.constant 0 : index
    %swap3A_437 = vector.load %arg6[%swap3A_435, %swap3A_436] : memref<1x1xi32, #tpu.memory_space<vmem>>, vector<1x1xi32>
    tpu.vector_store %arg6[%swap3A_435, %swap3A_436], %broadcast_in_dim3A_434 {strides = array<i32>} : memref<1x1xi32, #tpu.memory_space<vmem>>, vector<1x1xi32>,
    %iota3A_438 = tpu.iota {dimensions = array<i32: 0>} : vector<64x16xi32>
    %squeeze3A = vector.extract %broadcast_in_dim3A_434[0, 0] : i32 from vector<1x1xi32>
    %sub3A_439 = arith.constant 1 : i32
    %sub3A_440 = arith.subi %squeeze3A, %sub3A_439 : i32
    %min3A = vector.broadcast %sub3A_440 : i32 to vector<64x16xi32>
    %min3A_441 = arith.minsi %iota3A_438, %min3A : vector<64x16xi32>
    %convert_element_type3A_442 = arith.fptosi %dot_general3A_414 : vector<1x16xf32> to vector<1x16xi32>
    %le3A = vector.broadcast %convert_element_type3A_442 : vector<1x16xi32> to vector<64x16xi32>
    %le3A_443 = arith.cmpi sle, %le3A, %min3A_441 : vector<64x16xi32>
    %jit3A_444 = arith.constant 1 : i32
    %jit3A_445 = arith.constant 0 : i32
    %broadcast_in_dim3A_446 = vector.broadcast %jit3A_444 : i32 to vector<64x16xi32>
    %broadcast_in_dim3A_447 = vector.broadcast %jit3A_445 : i32 to vector<64x16xi32>
    %select_n3A_448 = arith.select %le3A_443, %broadcast_in_dim3A_446, %broadcast_in_dim3A_447 : vector<64x16xi1>, vector<64x16xi32>
    %reduce_sum3A_449 = arith.constant dense<0> : vector<64xi32>
    %reduce_sum3A_450 = vector.multi_reduction <add>, %select_n3A_448, %reduce_sum3A_449 [1] : vector<64x16xi32> to vector<64xi32>
    %broadcast_in_dim3A_451 = vector.shape_cast %reduce_sum3A_450 : vector<64xi32> to vector<64x1xi32>
    %sub3A_452 = arith.constant 1 : i32
    %sub3A_453 = vector.broadcast %sub3A_452 : i32 to vector<64x1xi32>
    %sub3A_454 = arith.subi %broadcast_in_dim3A_451, %sub3A_453 : vector<64x1xi32>
    %jit3A_455 = arith.constant 0 : i32
    %jit3A_456 = arith.constant 15 : i32
    %max3A = vector.broadcast %jit3A_455 : i32 to vector<64x1xi32>
    %max3A_457 = arith.maxsi %max3A, %sub3A_454 : vector<64x1xi32>
    %min3A_458 = vector.broadcast %jit3A_456 : i32 to vector<64x1xi32>
    %min3A_459 = arith.minsi %min3A_458, %max3A_457 : vector<64x1xi32>
    %swap3A_460 = arith.constant 0 : index
    %swap3A_461 = arith.constant 0 : index
    %swap3A_462 = vector.load %arg5[%swap3A_460, %swap3A_461] : memref<64x1xi32, #tpu.memory_space<vmem>>, vector<64x1xi32>
    tpu.vector_store %arg5[%swap3A_460, %swap3A_461], %min3A_459 {strides = array<i32>} : memref<64x1xi32, #tpu.memory_space<vmem>>, vector<64x1xi32>,
    return
  }
}

</mosaic_0001>

<sc_bundles>
// kernel: kernel.10.cloned.1.call-start
scs
__scs_entry_jumppad:
0x0: {  	(pc) =	sbr.rel $0x88, $3  }
0x1: {  	(tag) =	ssettag $0x0;
	lr =	simm.s32 $0x1  }
0x2: {  	[smem:$0x3F9C] =	sst lr;
	_ =	strace $0xD0000000  }
0x3: {  	_ = 	snop  }
0x4: {  	_ = 	snop  }
0x5: {  	_ = 	snop  }
0x6: {  	_ = 	snop  }
0x7: {  	_ = 	snop  }
__scs_overlays_trampoline_lowered:
0x8: {  	[smem:$0x3FAB] =	sst s0  }
0x9: {  	[smem:$0x3FAC] =	sst s1  }
0xa: {  	[smem:$0x3FAD] =	sst s2  }
0xb: {  	[smem:$0x3FAE] =	sst s3  }
0xc: {  	[smem:$0x3FAF] =	sst s4  }
0xd: {  	[smem:$0x3FB0] =	sst s5  }
0xe: {  	[smem:$0x3FB1] =	sst s6  }
0xf: {  	[smem:$0x3FB2] =	sst s7  }
0x10: {  	[smem:$0x3FB3] =	sst s8  }
0x11: {  	[smem:$0x3FB4] =	sst s9;
	s0 =	simm.s32 @!p0 $0x0  }
0x12: {  	s1 =	sld [smem:$0x3F9A];
	s0 =	simm.s32 @p0 $0x1  }
0x13: {  	[smem:$0x3FB5] =	sst s0;
	s0 =	simm.s32 @!p1 $0x0  }
0x14: {  	s2 =	sld [smem:$0x3F99];
	s0 =	simm.s32 @p1 $0x1  }
0x15: {  	[smem:$0x3FB6] =	sst s0;
	s0 =	simm.s32 @!p2 $0x0  }
0x16: {  	s3 =	sld [smem:$0x3FDB];
	s0 =	simm.s32 @p2 $0x1  }
0x17: {  	s4 =	simm.s32 $0x1BF5;
	[smem:$0x3FB8] =	sst s0  }
0x18: {  	s0 =	sld [smem:$0x3F9B];
	_ =	swait.ge [sflag:s4], $0x0  }
0x19: {  	s7 =	sld [smem:$0x3F9C]  }
0x1a: {  	s8 =	sadd.s32 $0xFFFFE003, lr  }
0x1b: {  	s9 =	sadd.s32 $0xFFFFFEF7, lr;
	s5 =	simm.s32 $0xFFFFFFFF;
	p2 =	slt.u32 s8, $0xFFFFF086  }
0x1c: {  	p1 =	slt.u32 s9, $0xF7A;
	s5 =	simm.s32 @!p2 $0x0  }
0x1d: {  	s5 =	simm.s32 @p1 $0x1;
	p0 =	seq.s32 s7, s2  }
0x1e: {  	s7 =	smul.u32 @!p0 $0xF7A, s2;
	p2 =	seq.s32 @!p0 s5, $0x0  }
0x1f: {  	s9 =	smul.u32 $0xF7A, s1;
	s8 =	simm.s32 @!p0 $0x1BF5;
	p2 =	por !p2, p0  }
0x20: {  	[sflag:s8] =	ssyncset.s32 @!p0 $0xFFFFF086;
	s6 =	sadd.s32 @!p0 s3, s7;
	s7 =	simm.s32 @!p0 $0x108  }
0x21: {  	s3 =	sadd.s32 s3, s9;
	s6 =	sadd.s32 @!p0 $0x88, s6;
	s7 =	simm.s32 @p2 $0x1082  }
0x22: {  	[simem:s7], [sflag:s8] =	dma.local @!p0 [hbm:s6], $0xF7A  }
0x23: {  	s9 =	sor.u32 $0xD0000000, s2;
	s6 =	simm.s32 $0x108;
	_ =	swait.ge @!p0 [sflag:s8], $0x0  }
0x24: {  	s3 =	sadd.s32 $0x88, s3;
	s6 =	simm.s32 @!p1 $0x1082;
	[sflag:s4] =	ssyncset.s32 $0xFFFFF086  }
0x25: {  	[simem:s6], [sflag:s4] =	dma.local [hbm:s3], $0xF7A  }
0x26: {  	[smem:$0x3F9C] =	sst s1;
	(tag) =	ssettag s2;
	_ =	strace s9  }
0x27: {  	s1 =	sld [smem:$0x3FAC]  }
0x28: {  	s2 =	sld [smem:$0x3FAD]  }
0x29: {  	s4 =	sld [smem:$0x3FAF]  }
0x2a: {  	p0 =	seq.s32 s5, $0x0;
	s5 =	sld [smem:$0x3FB0]  }
0x2b: {  	s6 =	sld [smem:$0x3FB1]  }
0x2c: {  	s7 =	sld [smem:$0x3FB2]  }
0x2d: {  	s3 =	simm.s32 $0x108;
	s8 =	sld [smem:$0x3FB3]  }
0x2e: {  	s3 =	simm.s32 @!p0 $0x1082;
	s9 =	sld [smem:$0x3FB4]  }
0x2f: {  	lr =	sadd.s32 s0, s3;
	s0 =	sld [smem:$0x3FAB]  }
0x30: {  	s3 =	sld [smem:$0x3FAE]  }
0x31: {  	[smem:$0x3FB7] =	sst s10  }
0x32: {  	s10 =	sld [smem:$0x3FB5];
	_ =	sdelay $0x3  }
0x33: {  	p0 =	seq.s32 s10, $0x1;
	s10 =	sld [smem:$0x3FB7];
	_ =	sdelay $0x3  }
0x34: {  	[smem:$0x3FB7] =	sst s10  }
0x35: {  	s10 =	sld [smem:$0x3FB6];
	_ =	sdelay $0x3  }
0x36: {  	p1 =	seq.s32 s10, $0x1;
	s10 =	sld [smem:$0x3FB7];
	_ =	sdelay $0x3  }
0x37: {  	[smem:$0x3FB7] =	sst s10  }
0x38: {  	s10 =	sld [smem:$0x3FB8]  }
0x39: {  	_ = 	snop;
	(pc) =	sbr.ind lr, $3  }
0x3a: {  	_ = 	snop  }
0x3b: {  	_ = 	snop  }
0x3c: {  	p2 =	seq.s32 s10, $0x1;
	s10 =	sld [smem:$0x3FB7]  }
0x3d: {  	_ =	shalt  }
0x3e: {  	_ =	shalt  }
0x3f: {  	_ =	shalt  }
0x40: {  	_ =	shalt  }
0x41: {  	_ =	shalt  }
0x42: {  	_ =	shalt  }
0x43: {  	_ =	shalt  }
0x44: {  	_ =	shalt  }
0x45: {  	_ =	shalt  }
0x46: {  	_ =	shalt  }
0x47: {  	_ =	shalt  }
0x48: {  	_ =	shalt  }
0x49: {  	_ =	shalt  }
0x4a: {  	_ =	shalt  }
0x4b: {  	_ =	shalt  }
0x4c: {  	_ =	shalt  }
0x4d: {  	_ =	shalt  }
0x4e: {  	_ =	shalt  }
0x4f: {  	_ =	shalt  }
0x50: {  	_ =	shalt  }
0x51: {  	_ =	shalt  }
0x52: {  	_ =	shalt  }
0x53: {  	_ =	shalt  }
0x54: {  	_ =	shalt  }
0x55: {  	_ =	shalt  }
0x56: {  	_ =	shalt  }
0x57: {  	_ =	shalt  }
0x58: {  	_ =	shalt  }
0x59: {  	_ =	shalt  }
0x5a: {  	_ =	shalt  }
0x5b: {  	_ =	shalt  }
0x5c: {  	_ =	shalt  }
0x5d: {  	_ =	shalt  }
0x5e: {  	_ =	shalt  }
0x5f: {  	_ =	shalt  }
0x60: {  	_ =	shalt  }
0x61: {  	_ =	shalt  }
0x62: {  	_ =	shalt  }
0x63: {  	_ =	shalt  }
0x64: {  	_ =	shalt  }
0x65: {  	_ =	shalt  }
0x66: {  	_ =	shalt  }
0x67: {  	_ =	shalt  }
0x68: {  	_ =	shalt  }
0x69: {  	_ =	shalt  }
0x6a: {  	_ =	shalt  }
0x6b: {  	_ =	shalt  }
0x6c: {  	_ =	shalt  }
0x6d: {  	_ =	shalt  }
0x6e: {  	_ =	shalt  }
0x6f: {  	_ =	shalt  }
0x70: {  	_ =	shalt  }
0x71: {  	_ =	shalt  }
0x72: {  	_ =	shalt  }
0x73: {  	_ =	shalt  }
0x74: {  	_ =	shalt  }
0x75: {  	_ =	shalt  }
0x76: {  	_ =	shalt  }
0x77: {  	_ =	shalt  }
0x78: {  	_ =	shalt  }
0x79: {  	_ =	shalt  }
0x7a: {  	_ =	shalt  }
0x7b: {  	_ =	shalt  }
0x7c: {  	_ =	shalt  }
0x7d: {  	_ =	shalt  }
0x7e: {  	_ =	shalt  }
0x7f: {  	_ =	shalt  }
0x80: {  	_ =	shalt  }
0x81: {  	_ =	shalt  }
0x82: {  	_ =	shalt  }
0x83: {  	_ =	shalt  }
0x84: {  	_ =	shalt  }
0x85: {  	_ =	shalt  }
0x86: {  	_ =	shalt  }
0x87: {  	_ =	shalt  }
.Lfunc_end0:
.L_simem_size_0:
called_computation.1_lowered:
.L_overlay_start_0:
0x88: {  	s2 =	sld [smem:$0x3FD9]  }
0x89: {  	s3 =	sld [smem:$0x3FFE];
	_ =	sdelay $0x1  }
0x8a: {  	s1 =	srdreg.scid  }
0x8b: {  	s0 =	sand.u32 $0x1, s1  }
0x8c: {  	s17 =	sshll.u32 s0, $0xA;
	s2 =	sadd.s32 s3, s2  }
0x8d: {  	s2 =	sadd.s32 s2, s17  }
0x8e: {  	[smem:$0x3FC3] =	sst s2  }
0x8f: {  	_ = 	snop  }
0x90: {  	s2 =	sld [smem:$0x3FD0];
	(tm) =	ssettm $0x1  }
0x91: {  	s18 =	sld [smem:$0x3FFB];
	_ =	sdelay $0x3  }
0x92: {  	_ =	strace s18  }
0x93: {  	s3 =	sld [smem:$0x3FFC];
	_ =	sdelay $0x3  }
0x94: {  	_ =	strace s3  }
0x95: {  	s3 =	sld [smem:$0x3FFD];
	_ =	sdelay $0x3  }
0x96: {  	_ =	strace s3  }
0x97: {  	_ =	strace $0x8FFFFFFF  }
0x98: {  	s19 =	sld [smem:$0x3FDB];
	_ =	sdelay $0x1  }
0x99: {  	s4 =	simm.s32 $_scs_section_size  }
0x9a: {  	s5 =	simm.s32 $_size__tile_overlayer_lowered;
	s6 =	simm.s32 $_tile_overlayer_lowered  }
0x9b: {  	s22 =	simm.s32 $0x1BFF;
	s21 =	sshll.u32 s6, $0x1;
	s3 =	sadd.s32 s4, s19  }
0x9c: {  	s7 =	simm.s32 $0x0;
	s20 =	sshll.u32 s5, $0x1;
	s5 =	sadd.s32 s21, s3  }
0x9d: {  	[timem:s7], [sflag:s22] =	dma.local [hbm:s5], s20  }
0x9e: {  	_ =	swait.ge [sflag:s22], s20  }
0x9f: {  	s4 =	ssub.s32 $0x0, s20;
	[sflag:s22] =	ssyncset.done $0x0  }
0xa0: {  	[sflag:s22] =	ssyncadd.s32 s4;
	_ =	sdelay $0x1  }
0xa1: {  	s23 =	simm.s32 $0x1B8B  }
0xa2: {  	_ =	swait.ge [sflag:s23], $0x1  }
0xa3: {  	[sflag:s23] =	ssyncset.done $0x0  }
0xa4: {  	s25 =	simm.s32 $0x1B8E;
	s24 =	sld [smem:$0x3FFE];
	[sflag:s23] =	ssyncadd.s32 $0xFFFFFFFF  }
0xa5: {  	s26 =	simm.s32 $execute0_lowered;
	[smem:$0x3FD2] =	sst s25  }
0xa6: {  	s5 =	sshll.u32 s26, $0x1;
	_ =	strace $0x80000049;
	[dreg:$0x1] =	wrdreg $0xFFFFFFFF  }
0xa7: {  	s28 =	simm.s32 $_size_execute0_lowered;
	s3 =	sadd.s32 s3, s5;
	[dreg:$0x0] =	wrdreg $0x0  }
0xa8: {  	s5 =	sshll.u32 s28, $0x1;
	[dreg:$0x2] =	wrdreg s3  }
0xa9: {  	[dreg:$0x3] =	wrdreg s5  }
0xaa: {  	[dreg:$0x4] =	wrdreg $0xC0  }
0xab: {  	_ =	task [dreg:s7], $0x5FFFF  }
0xac: {  	[dreg:$0x1] =	wrdreg $0xFFFFFFFF  }
0xad: {  	[dreg:$0x0] =	wrdreg $0x60  }
0xae: {  	[dreg:$0x2] =	wrdreg s24  }
0xaf: {  	[dreg:$0x3] =	wrdreg s2  }
0xb0: {  	[dreg:$0x4] =	wrdreg $0x9  }
0xb1: {  	_ =	task.clear_ibuf [dreg:s7], $0x5FFFF;
	_ =	strace $0x90000049  }
0xb2: {  	s29 =	simm.s32 $0x9;
	_ =	strace $0x8000004B  }
0xb3: {  	_ =	swait.ge [sflag:s29], $0x1  }
0xb4: {  	[sflag:s29] =	ssyncadd.s32 $0xFFFFFFFF  }
0xb5: {  	_ =	strace $0x9000004B  }
0xb6: {  	_ =	sfence  }
0xb7: {  	s30 =	sld [smem:$0x0];
	_ =	sdelay $0x2  }
0xb8: {  	s31 =	sshll.u32 s1, $0xD;
	s1 =	sshrl.u32 s1, $0x2  }
0xb9: {  	s3 =	sand.u32 $0x4000, s31;
	s1 =	sadd.s32 s1, s30  }
0xba: {  	s0 =	sor.u32 s3, s0;
	s1 =	sshll.u32 s1, $0x11  }
0xbb: {  	s0 =	sor.u32 s1, s0  }
0xbc: {  	s0 =	sadd.s32 $0x8F2B, s0  }
0xbd: {  	[sflag:s0] =	ssyncadd.remote.s32 $0x1  }
0xbe: {  	_ =	sfence.sel $0xFFFF  }
0xbf: {  	[dreg:$0x0] =	wrdreg $0xFFFFFFFF;
	(pc) =	sbr.abs _section_cstart, $3  }
0xc0: {  	[dreg:$0x1] =	wrdreg $0xFFFFFFFF  }
0xc1: {  	_ =	task.clear_ibuf [dreg:s7], $0x2FFFF;
	_ =	strace $0x9FFFFFFF  }
0xc2: {  	(tm) =	ssettm $0x7FFFFFFF  }
0xc3: {  	_ =	shalt  }
tec
execute0_lowered:
.L_overlay_start_1:
0x0: {  	(tag) =	ssettag $0x1  }
0x1: {  	s1 =	srdreg.scid;
	s4 =	rddreg [dreg:$0x0]  }
0x2: {  	s0 =	stileid.u32;
	s5 =	rddreg [dreg:$0x1];
	s17 =	simm.s32 $0x80  }
0x3: {  	s18 =	simm.s32 $0x900;
	s19 =	simm.s32 $0x1100;
	s20 =	simm.s32 $0x1900  }
0x4: {  	s21 =	simm.s32 $0x2100;
	s23 =	simm.s32 $0x2900;
	s24 =	simm.s32 $0x3100  }
0x5: {  	s25 =	simm.s32 $0x3900;
	s26 =	simm.s32 $0x4100;
	s1 =	sand.u32 $0x1, s1  }
0x6: {  	s10 =	simm.s32 $0x5900;
	s2 =	sshll.u32 s0, $0x7;
	s3 =	sshll.u32 s1, $0x6  }
0x7: {  	s11 =	simm.s32 $0x6100;
	s3 =	sor.u32 s3, s2;
	s2 =	simm.s32 $0x0  }
0x8: {  	s12 =	simm.s32 $0x6900;
	s13 =	simm.s32 $0x7100;
	[smem:$0x7FF] =	sst s2  }
0x9: {  	s14 =	simm.s32 $0x7900;
	_ =	strace $0x8000004A;
	[dreg:$0x7] =	wrdreg s17  }
0xa: {  	s28 =	simm.s32 $0xD900;
	s29 =	simm.s32 $0xE100;
	[dreg:$0x8] =	wrdreg s18  }
0xb: {  	s30 =	simm.s32 $0xE900;
	s1 =	ssub.s32 $0x2, s1;
	[dreg:$0x9] =	wrdreg s19  }
0xc: {  	s31 =	simm.s32 $0xF100;
	s22 =	sshrl.u32 s1, $0x1;
	[dreg:$0xa] =	wrdreg s20  }
0xd: {  	s6 =	sshrl.u32 s3, $0x3;
	s3 =	sshll.u32 s3, $0x6;
	[dreg:$0xb] =	wrdreg s21  }
0xe: {  	s1 =	ssub.s32 s1, s22;
	s22 =	simm.s32 $0xB100;
	[dreg:$0xc] =	wrdreg s23  }
0xf: {  	s6 =	sadd.s32 s6, s4;
	s15 =	sadd.s32 s3, s4;
	[dreg:$0xd] =	wrdreg s24  }
0x10: {  	s3 =	sadd.s32 s5, s3;
	s5 =	smax.u32 s1, $0x1;
	[dreg:$0xe] =	wrdreg s25  }
0x11: {  	[dreg:$0xf] =	wrdreg s26;
	s17 =	simm.s32 $0x8900;
	s18 =	simm.s32 $0x9100  }
0x12: {  	s19 =	simm.s32 $0x9900;
	s20 =	simm.s32 $0xA100;
	s21 =	simm.s32 $0xA900  }
0x13: {  	s23 =	simm.s32 $0xB900;
	s24 =	simm.s32 $0xC100;
	s25 =	simm.s32 $0xC900  }
0x14: {  	s26 =	simm.s32 $0xD100;
	s7 =	sadd.s32 $0xC00, s6;
	[dreg:$0x5] =	wrdreg s3  }
0x15: {  	s1 =	simm.s32 $0xF900;
	s6 =	sadd.s32 $0xE00, s6;
	[dreg:$0x3] =	wrdreg s7  }
0x16: {  	v2 =	vlaneseq.u32;
	s16 =	sadd.s32 $0x7D000, s15;
	s3 =	sadd.s32 $0x1000, s4;
	[dreg:$0x4] =	wrdreg s6  }
0x17: {  	vm0 =	vmmov $0xffff;
	v1 =	vshrl.u32 v2, $0x3;
	s4 =	sadd.s32 $0x1100, s4;
	s15 =	simm.s32 $0x2;
	[dreg:$0x6] =	wrdreg s16  }
0x18: {  	v0 =	vand.u32 $0x7, v2;
	v2 =	vor.u32 $0x8, v2;
	v1 =	vmul.u32 $0x8, v1;
	s6 =	simm.s32 $0x1;
	s7 =	simm.s32 $0x100;
	s16 =	simm.s32 $0x8100  }
.LBB2_1:
0x19: {  	s0 =	rddreg [dreg:$0x3]  }
0x1a: {  	s8 =	rddreg [dreg:$0x4]  }
0x1b: {  	[tilespmem:s2], [sflag:$0x1] =	stream.linear.gather [hbm4b:s0+s2], $0x40, $0x38;
	[tilespmem:$0x10100] =	vst v63  }
0x1c: {  	s9 =	rddreg [dreg:$0x7]  }
0x1d: {  	[tilespmem:s9], [sflag:$0x2] =	stream.linear.gather [hbm4b:s8+s2], $0x40, $0x38;
	[tilespmem:$0x10100] =	vst v63  }
0x1e: {  	_ =	swait.ge [sflag:s6], $0x40  }
0x1f: {  	[sflag:s6] =	ssyncset.done $0x0  }
0x20: {  	[sflag:s6] =	ssyncadd.s32 $0xFFFFFFC0  }
0x21: {  	v3 =	vld [tilespmem:$0x0];
	_ =	sdelay $0x4  }
0x22: {  	v4 =	vshll.u32 v3, $0x2  }
0x23: {  	v3 =	vand.u32 $0x7, v3;
	v4 =	vand.u32 $0xFFFFFFE0, v4  }
0x24: {  	v3 =	vor.u32 v3, v4  }
0x25: {  	v4 =	vperm.xlane v3, v0;
	_ =	sdelay $0x1  }
0x26: {  	v4 =	vadd.s32 v1, v4;
	_ =	sdelay $0x1  }
0x27: {  	v3 =	vperm.xlane v3, v2;
	_ =	sdelay $0x1  }
0x28: {  	v3 =	vadd.s32 v1, v3  }
0x29: {  	[tilespmem:s7], [sflag:$0x1] =	stream.indirect_vreg.gather [hbm4b:s3+s2], $0x80, v4, vm0, $0xb8;
	[tilespmem:$0x10100] =	vst v63  }
0x2a: {  	s9 =	rddreg [dreg:$0x8]  }
0x2b: {  	[tilespmem:s9], [sflag:$0x1] =	stream.indirect_vreg.gather [hbm4b:s4+s2], $0x80, v4, vm0, $0xb8;
	[tilespmem:$0x10100] =	vst v63  }
0x2c: {  	s8 =	rddreg [dreg:$0x9]  }
0x2d: {  	[tilespmem:s8], [sflag:$0x1] =	stream.indirect_vreg.gather [hbm4b:s3+s2], $0x80, v3, vm0, $0xb8;
	[tilespmem:$0x10100] =	vst v63  }
0x2e: {  	s9 =	rddreg [dreg:$0xa]  }
0x2f: {  	[tilespmem:s9], [sflag:$0x1] =	stream.indirect_vreg.gather [hbm4b:s4+s2], $0x80, v3, vm0, $0xb8;
	[tilespmem:$0x10100] =	vst v63  }
0x30: {  	v3 =	vld [tilespmem:$0x10];
	_ =	sdelay $0x4  }
0x31: {  	v57 =	vshll.u32 v3, $0x2  }
0x32: {  	v3 =	vand.u32 $0x7, v3;
	v4 =	vand.u32 $0xFFFFFFE0, v57  }
0x33: {  	v3 =	vor.u32 v3, v4  }
0x34: {  	v4 =	vperm.xlane v3, v0;
	_ =	sdelay $0x1  }
0x35: {  	v4 =	vadd.s32 v1, v4;
	_ =	sdelay $0x1  }
0x36: {  	v3 =	vperm.xlane v3, v2;
	_ =	sdelay $0x1  }
0x37: {  	s8 =	rddreg [dreg:$0xb];
	v3 =	vadd.s32 v1, v3  }
0x38: {  	[tilespmem:s8], [sflag:$0x1] =	stream.indirect_vreg.gather [hbm4b:s3+s2], $0x80, v4, vm0, $0xb8;
	[tilespmem:$0x10100] =	vst v63  }
0x39: {  	s9 =	rddreg [dreg:$0xc]  }
0x3a: {  	[tilespmem:s9], [sflag:$0x1] =	stream.indirect_vreg.gather [hbm4b:s4+s2], $0x80, v4, vm0, $0xb8;
	[tilespmem:$0x10100] =	vst v63  }
0x3b: {  	s0 =	rddreg [dreg:$0xd]  }
0x3c: {  	[tilespmem:s0], [sflag:$0x1] =	stream.indirect_vreg.gather [hbm4b:s3+s2], $0x80, v3, vm0, $0xb8;
	[tilespmem:$0x10100] =	vst v63  }
0x3d: {  	s9 =	rddreg [dreg:$0xe]  }
0x3e: {  	[tilespmem:s9], [sflag:$0x1] =	stream.indirect_vreg.gather [hbm4b:s4+s2], $0x80, v3, vm0, $0xb8;
	[tilespmem:$0x10100] =	vst v63  }
0x3f: {  	v3 =	vld [tilespmem:$0x20];
	_ =	sdelay $0x4  }
0x40: {  	v58 =	vshll.u32 v3, $0x2  }
0x41: {  	v3 =	vand.u32 $0x7, v3;
	v4 =	vand.u32 $0xFFFFFFE0, v58  }
0x42: {  	v3 =	vor.u32 v3, v4  }
0x43: {  	v4 =	vperm.xlane v3, v0;
	_ =	sdelay $0x1  }
0x44: {  	v4 =	vadd.s32 v1, v4;
	_ =	sdelay $0x1  }
0x45: {  	v3 =	vperm.xlane v3, v2;
	_ =	sdelay $0x1  }
0x46: {  	s9 =	rddreg [dreg:$0xf];
	v3 =	vadd.s32 v1, v3  }
0x47: {  	[tilespmem:s9], [sflag:$0x1] =	stream.indirect_vreg.gather [hbm4b:s3+s2], $0x80, v4, vm0, $0xb8;
	[tilespmem:$0x10100] =	vst v63  }
0x48: {  	s8 =	simm.s32 $0x4900  }
0x49: {  	[tilespmem:s8], [sflag:$0x1] =	stream.indirect_vreg.gather [hbm4b:s4+s2], $0x80, v4, vm0, $0xb8;
	[tilespmem:$0x10100] =	vst v63  }
0x4a: {  	s9 =	simm.s32 $0x5100  }
0x4b: {  	[tilespmem:s9], [sflag:$0x1] =	stream.indirect_vreg.gather [hbm4b:s3+s2], $0x80, v3, vm0, $0xb8;
	[tilespmem:$0x10100] =	vst v63  }
0x4c: {  	_ = 	snop  }
0x4d: {  	[tilespmem:s10], [sflag:$0x1] =	stream.indirect_vreg.gather [hbm4b:s4+s2], $0x80, v3, vm0, $0xb8;
	[tilespmem:$0x10100] =	vst v63  }
0x4e: {  	v3 =	vld [tilespmem:$0x30];
	_ =	sdelay $0x4  }
0x4f: {  	v59 =	vshll.u32 v3, $0x2  }
0x50: {  	v3 =	vand.u32 $0x7, v3;
	v4 =	vand.u32 $0xFFFFFFE0, v59  }
0x51: {  	v3 =	vor.u32 v3, v4  }
0x52: {  	v4 =	vperm.xlane v3, v0;
	_ =	sdelay $0x1  }
0x53: {  	v4 =	vadd.s32 v1, v4;
	_ =	sdelay $0x1  }
0x54: {  	v3 =	vperm.xlane v3, v2;
	_ =	sdelay $0x1  }
0x55: {  	v3 =	vadd.s32 v1, v3  }
0x56: {  	[tilespmem:s11], [sflag:$0x1] =	stream.indirect_vreg.gather [hbm4b:s3+s2], $0x80, v4, vm0, $0xb8;
	[tilespmem:$0x10100] =	vst v63  }
0x57: {  	_ = 	snop  }
0x58: {  	[tilespmem:s12], [sflag:$0x1] =	stream.indirect_vreg.gather [hbm4b:s4+s2], $0x80, v4, vm0, $0xb8;
	[tilespmem:$0x10100] =	vst v63  }
0x59: {  	_ = 	snop  }
0x5a: {  	[tilespmem:s13], [sflag:$0x1] =	stream.indirect_vreg.gather [hbm4b:s3+s2], $0x80, v3, vm0, $0xb8;
	[tilespmem:$0x10100] =	vst v63  }
0x5b: {  	_ = 	snop  }
0x5c: {  	[tilespmem:s14], [sflag:$0x1] =	stream.indirect_vreg.gather [hbm4b:s4+s2], $0x80, v3, vm0, $0xb8;
	[tilespmem:$0x10100] =	vst v63  }
0x5d: {  	_ =	swait.ge [sflag:s15], $0x40  }
0x5e: {  	[sflag:s15] =	ssyncset.done $0x0  }
0x5f: {  	[sflag:s15] =	ssyncadd.s32 $0xFFFFFFC0  }
0x60: {  	v3 =	vld [tilespmem:$0x80];
	_ =	sdelay $0x4  }
0x61: {  	v60 =	vshll.u32 v3, $0x2  }
0x62: {  	v3 =	vand.u32 $0x7, v3;
	v4 =	vand.u32 $0xFFFFFFE0, v60  }
0x63: {  	v3 =	vor.u32 v3, v4  }
0x64: {  	v4 =	vperm.xlane v3, v0;
	_ =	sdelay $0x1  }
0x65: {  	v4 =	vadd.s32 v1, v4;
	_ =	sdelay $0x1  }
0x66: {  	v3 =	vperm.xlane v3, v2;
	_ =	sdelay $0x1  }
0x67: {  	v3 =	vadd.s32 v1, v3  }
0x68: {  	[tilespmem:s16], [sflag:$0x2] =	stream.indirect_vreg.gather [hbm4b:s3+s2], $0x80, v4, vm0, $0xb8;
	[tilespmem:$0x10100] =	vst v63  }
0x69: {  	_ = 	snop  }
0x6a: {  	[tilespmem:s17], [sflag:$0x2] =	stream.indirect_vreg.gather [hbm4b:s4+s2], $0x80, v4, vm0, $0xb8;
	[tilespmem:$0x10100] =	vst v63  }
0x6b: {  	_ = 	snop  }
0x6c: {  	[tilespmem:s18], [sflag:$0x2] =	stream.indirect_vreg.gather [hbm4b:s3+s2], $0x80, v3, vm0, $0xb8;
	[tilespmem:$0x10100] =	vst v63  }
0x6d: {  	_ = 	snop  }
0x6e: {  	[tilespmem:s19], [sflag:$0x2] =	stream.indirect_vreg.gather [hbm4b:s4+s2], $0x80, v3, vm0, $0xb8;
	[tilespmem:$0x10100] =	vst v63  }
0x6f: {  	v3 =	vld [tilespmem:$0x90];
	_ =	sdelay $0x4  }
0x70: {  	v61 =	vshll.u32 v3, $0x2  }
0x71: {  	v3 =	vand.u32 $0x7, v3;
	v4 =	vand.u32 $0xFFFFFFE0, v61  }
0x72: {  	v3 =	vor.u32 v3, v4  }
0x73: {  	v4 =	vperm.xlane v3, v0;
	_ =	sdelay $0x1  }
0x74: {  	v4 =	vadd.s32 v1, v4;
	_ =	sdelay $0x1  }
0x75: {  	v3 =	vperm.xlane v3, v2;
	_ =	sdelay $0x1  }
0x76: {  	v3 =	vadd.s32 v1, v3  }
0x77: {  	[tilespmem:s20], [sflag:$0x2] =	stream.indirect_vreg.gather [hbm4b:s3+s2], $0x80, v4, vm0, $0xb8;
	[tilespmem:$0x10100] =	vst v63  }
0x78: {  	_ = 	snop  }
0x79: {  	[tilespmem:s21], [sflag:$0x2] =	stream.indirect_vreg.gather [hbm4b:s4+s2], $0x80, v4, vm0, $0xb8;
	[tilespmem:$0x10100] =	vst v63  }
0x7a: {  	_ = 	snop  }
0x7b: {  	[tilespmem:s22], [sflag:$0x2] =	stream.indirect_vreg.gather [hbm4b:s3+s2], $0x80, v3, vm0, $0xb8;
	[tilespmem:$0x10100] =	vst v63  }
0x7c: {  	_ = 	snop  }
0x7d: {  	[tilespmem:s23], [sflag:$0x2] =	stream.indirect_vreg.gather [hbm4b:s4+s2], $0x80, v3, vm0, $0xb8;
	[tilespmem:$0x10100] =	vst v63  }
0x7e: {  	v3 =	vld [tilespmem:$0xA0];
	_ =	sdelay $0x4  }
0x7f: {  	v62 =	vshll.u32 v3, $0x2  }
0x80: {  	v3 =	vand.u32 $0x7, v3;
	v4 =	vand.u32 $0xFFFFFFE0, v62  }
0x81: {  	v3 =	vor.u32 v3, v4  }
0x82: {  	v4 =	vperm.xlane v3, v0;
	_ =	sdelay $0x1  }
0x83: {  	v4 =	vadd.s32 v1, v4;
	_ =	sdelay $0x1  }
0x84: {  	v3 =	vperm.xlane v3, v2;
	_ =	sdelay $0x1  }
0x85: {  	v3 =	vadd.s32 v1, v3  }
0x86: {  	[tilespmem:s24], [sflag:$0x2] =	stream.indirect_vreg.gather [hbm4b:s3+s2], $0x80, v4, vm0, $0xb8;
	[tilespmem:$0x10100] =	vst v63  }
0x87: {  	_ = 	snop  }
0x88: {  	[tilespmem:s25], [sflag:$0x2] =	stream.indirect_vreg.gather [hbm4b:s4+s2], $0x80, v4, vm0, $0xb8;
	[tilespmem:$0x10100] =	vst v63  }
0x89: {  	_ = 	snop  }
0x8a: {  	[tilespmem:s26], [sflag:$0x2] =	stream.indirect_vreg.gather [hbm4b:s3+s2], $0x80, v3, vm0, $0xb8;
	[tilespmem:$0x10100] =	vst v63  }
0x8b: {  	_ = 	snop  }
0x8c: {  	[tilespmem:s28], [sflag:$0x2] =	stream.indirect_vreg.gather [hbm4b:s4+s2], $0x80, v3, vm0, $0xb8;
	[tilespmem:$0x10100] =	vst v63  }
0x8d: {  	v3 =	vld [tilespmem:$0xB0];
	_ =	sdelay $0x4  }
0x8e: {  	v63 =	vshll.u32 v3, $0x2  }
0x8f: {  	v3 =	vand.u32 $0x7, v3;
	v4 =	vand.u32 $0xFFFFFFE0, v63  }
0x90: {  	v3 =	vor.u32 v3, v4  }
0x91: {  	v4 =	vperm.xlane v3, v0;
	_ =	sdelay $0x1  }
0x92: {  	v4 =	vadd.s32 v1, v4;
	_ =	sdelay $0x1  }
0x93: {  	v3 =	vperm.xlane v3, v2;
	_ =	sdelay $0x1  }
0x94: {  	v3 =	vadd.s32 v1, v3  }
0x95: {  	[tilespmem:s29], [sflag:$0x2] =	stream.indirect_vreg.gather [hbm4b:s3+s2], $0x80, v4, vm0, $0xb8;
	[tilespmem:$0x10100] =	vst v63  }
0x96: {  	_ = 	snop  }
0x97: {  	[tilespmem:s30], [sflag:$0x2] =	stream.indirect_vreg.gather [hbm4b:s4+s2], $0x80, v4, vm0, $0xb8;
	[tilespmem:$0x10100] =	vst v63  }
0x98: {  	_ = 	snop  }
0x99: {  	[tilespmem:s31], [sflag:$0x2] =	stream.indirect_vreg.gather [hbm4b:s3+s2], $0x80, v3, vm0, $0xb8;
	[tilespmem:$0x10100] =	vst v63  }
0x9a: {  	_ = 	snop  }
0x9b: {  	[tilespmem:s1], [sflag:$0x2] =	stream.indirect_vreg.gather [hbm4b:s4+s2], $0x80, v3, vm0, $0xb8;
	[tilespmem:$0x10100] =	vst v63  }
0x9c: {  	_ =	swait.ge [sflag:s6], $0x8000  }
0x9d: {  	[sflag:s6] =	ssyncset.done $0x0  }
0x9e: {  	s8 =	rddreg [dreg:$0x5];
	[sflag:s6] =	ssyncadd.s32 $0xFFFF8000  }
0x9f: {  	[hbm4b:s8+s2] =	stream.linear.scatter [tilespmem:s7], [sflag:$0x1], $0x8000, $0x38;
	[tilespmem:$0x10100] =	vst v63  }
0xa0: {  	_ =	swait.ge [sflag:s15], $0x8000  }
0xa1: {  	[sflag:s15] =	ssyncset.done $0x0  }
0xa2: {  	s9 =	rddreg [dreg:$0x6];
	[sflag:s15] =	ssyncadd.s32 $0xFFFF8000  }
0xa3: {  	[hbm4b:s9+s2] =	stream.linear.scatter [tilespmem:s16], [sflag:$0x2], $0x8000, $0x38;
	[tilespmem:$0x10100] =	vst v63  }
0xa4: {  	p0 =	sne.s32 s5, $0x1;
	_ =	swait.ge [sflag:s6], $0x8000  }
.Ltmp0:
0xa5: {  	[sflag:s6] =	ssyncset.done $0x0;
	(pc) =	sbr.rel @p0 .LBB2_1-.Ltmp0, $4  }
0xa6: {  	[sflag:s6] =	ssyncadd.s32 $0xFFFF8000  }
0xa7: {  	_ =	swait.ge [sflag:s15], $0x8000  }
0xa8: {  	[sflag:s15] =	ssyncset.done $0x0  }
0xa9: {  	s5 =	sadd.s32 $0xFFFFFFFF, s5;
	[sflag:s15] =	ssyncadd.s32 $0xFFFF8000  }
0xaa: {  	_ =	sfence.sel $0x180000  }
0xab: {  	[bflag:$0x0] =	sbarrier.arrive $0xFFFF  }
0xac: {  	_ =	strace $0x9000004A  }
0xad: {  	s0 =	stileid.u32;
	[bflag:$0x2] =	sbarrier.arrive $0xFFFF  }
0xae: {  	p0 =	sne.s32 s0, $0x0;
	s0 =	rddreg [dreg:$0x2]  }
0xaf: {  	s0 =	sadd.s32 @!p0 $0x100000, s0  }
0xb0: {  	[sflag:s0] =	ssyncadd.tile.s32 @!p0 $0x1;
	_ =	shalt  }
.Lfunc_end2:
_tile_overlayer_lowered:
.L_overlay_start_2:
0xb1: {  	(tag) =	ssettag $0x2  }
0xb2: {  	s0 =	rddreg [dreg:$0x0];
	s2 =	stileid.u32  }
0xb3: {  	s1 =	rddreg [dreg:$0x1];
	p0 =	sne.s32 s2, $0x0  }
0xb4: {  	s3 =	rddreg [dreg:$0x2];
	[bflag:$0x3] =	sbarrier.arrive $0xFFFF;
	s2 =	simm.s32 @!p0 $0x1C03  }
0xb5: {  	[timem:s3], [sflag:s2] =	dma.local @!p0 [hbm:s0], s1  }
0xb6: {  	s0 =	simm.s32 @!p0 $0x3  }
0xb7: {  	_ =	swait.ge @!p0 [sflag:s0], s1  }
0xb8: {  	s1 =	ssub.s32 @!p0 $0x0, s1;
	[sflag:s0] =	ssyncset.done @!p0 $0x0  }
0xb9: {  	[sflag:s0] =	ssyncadd.s32 @!p0 s1  }
0xba: {  	[bflag:$0x3] =	sbarrier.arrive $0xFFFF  }
0xbb: {  	_ =	shalt  }

// kernel: kernel.7.cloned.1.call-start
scs
__scs_entry_jumppad:
0x0: {  	(pc) =	sbr.rel $0x88, $3  }
0x1: {  	(tag) =	ssettag $0x0;
	lr =	simm.s32 $0x1  }
0x2: {  	[smem:$0x3F9C] =	sst lr;
	_ =	strace $0xD0000000  }
0x3: {  	_ = 	snop  }
0x4: {  	_ = 	snop  }
0x5: {  	_ = 	snop  }
0x6: {  	_ = 	snop  }
0x7: {  	_ = 	snop  }
__scs_overlays_trampoline_lowered:
0x8: {  	[smem:$0x3FAB] =	sst s0  }
0x9: {  	[smem:$0x3FAC] =	sst s1  }
0xa: {  	[smem:$0x3FAD] =	sst s2  }
0xb: {  	[smem:$0x3FAE] =	sst s3  }
0xc: {  	[smem:$0x3FAF] =	sst s4  }
0xd: {  	[smem:$0x3FB0] =	sst s5  }
0xe: {  	[smem:$0x3FB1] =	sst s6  }
0xf: {  	[smem:$0x3FB2] =	sst s7  }
0x10: {  	[smem:$0x3FB3] =	sst s8  }
0x11: {  	[smem:$0x3FB4] =	sst s9;
	s0 =	simm.s32 @!p0 $0x0  }
0x12: {  	s1 =	sld [smem:$0x3F9A];
	s0 =	simm.s32 @p0 $0x1  }
0x13: {  	[smem:$0x3FB5] =	sst s0;
	s0 =	simm.s32 @!p1 $0x0  }
0x14: {  	s2 =	sld [smem:$0x3F99];
	s0 =	simm.s32 @p1 $0x1  }
0x15: {  	[smem:$0x3FB6] =	sst s0;
	s0 =	simm.s32 @!p2 $0x0  }
0x16: {  	s3 =	sld [smem:$0x3FDB];
	s0 =	simm.s32 @p2 $0x1  }
0x17: {  	s4 =	simm.s32 $0x1BF5;
	[smem:$0x3FB8] =	sst s0  }
0x18: {  	s0 =	sld [smem:$0x3F9B];
	_ =	swait.ge [sflag:s4], $0x0  }
0x19: {  	s7 =	sld [smem:$0x3F9C]  }
0x1a: {  	s8 =	sadd.s32 $0xFFFFE003, lr  }
0x1b: {  	s9 =	sadd.s32 $0xFFFFFEF7, lr;
	s5 =	simm.s32 $0xFFFFFFFF;
	p2 =	slt.u32 s8, $0xFFFFF086  }
0x1c: {  	p1 =	slt.u32 s9, $0xF7A;
	s5 =	simm.s32 @!p2 $0x0  }
0x1d: {  	s5 =	simm.s32 @p1 $0x1;
	p0 =	seq.s32 s7, s2  }
0x1e: {  	s7 =	smul.u32 @!p0 $0xF7A, s2;
	p2 =	seq.s32 @!p0 s5, $0x0  }
0x1f: {  	s9 =	smul.u32 $0xF7A, s1;
	s8 =	simm.s32 @!p0 $0x1BF5;
	p2 =	por !p2, p0  }
0x20: {  	[sflag:s8] =	ssyncset.s32 @!p0 $0xFFFFF086;
	s6 =	sadd.s32 @!p0 s3, s7;
	s7 =	simm.s32 @!p0 $0x108  }
0x21: {  	s3 =	sadd.s32 s3, s9;
	s6 =	sadd.s32 @!p0 $0x88, s6;
	s7 =	simm.s32 @p2 $0x1082  }
0x22: {  	[simem:s7], [sflag:s8] =	dma.local @!p0 [hbm:s6], $0xF7A  }
0x23: {  	s9 =	sor.u32 $0xD0000000, s2;
	s6 =	simm.s32 $0x108;
	_ =	swait.ge @!p0 [sflag:s8], $0x0  }
0x24: {  	s3 =	sadd.s32 $0x88, s3;
	s6 =	simm.s32 @!p1 $0x1082;
	[sflag:s4] =	ssyncset.s32 $0xFFFFF086  }
0x25: {  	[simem:s6], [sflag:s4] =	dma.local [hbm:s3], $0xF7A  }
0x26: {  	[smem:$0x3F9C] =	sst s1;
	(tag) =	ssettag s2;
	_ =	strace s9  }
0x27: {  	s1 =	sld [smem:$0x3FAC]  }
0x28: {  	s2 =	sld [smem:$0x3FAD]  }
0x29: {  	s4 =	sld [smem:$0x3FAF]  }
0x2a: {  	p0 =	seq.s32 s5, $0x0;
	s5 =	sld [smem:$0x3FB0]  }
0x2b: {  	s6 =	sld [smem:$0x3FB1]  }
0x2c: {  	s7 =	sld [smem:$0x3FB2]  }
0x2d: {  	s3 =	simm.s32 $0x108;
	s8 =	sld [smem:$0x3FB3]  }
0x2e: {  	s3 =	simm.s32 @!p0 $0x1082;
	s9 =	sld [smem:$0x3FB4]  }
0x2f: {  	lr =	sadd.s32 s0, s3;
	s0 =	sld [smem:$0x3FAB]  }
0x30: {  	s3 =	sld [smem:$0x3FAE]  }
0x31: {  	[smem:$0x3FB7] =	sst s10  }
0x32: {  	s10 =	sld [smem:$0x3FB5];
	_ =	sdelay $0x3  }
0x33: {  	p0 =	seq.s32 s10, $0x1;
	s10 =	sld [smem:$0x3FB7];
	_ =	sdelay $0x3  }
0x34: {  	[smem:$0x3FB7] =	sst s10  }
0x35: {  	s10 =	sld [smem:$0x3FB6];
	_ =	sdelay $0x3  }
0x36: {  	p1 =	seq.s32 s10, $0x1;
	s10 =	sld [smem:$0x3FB7];
	_ =	sdelay $0x3  }
0x37: {  	[smem:$0x3FB7] =	sst s10  }
0x38: {  	s10 =	sld [smem:$0x3FB8]  }
0x39: {  	_ = 	snop;
	(pc) =	sbr.ind lr, $3  }
0x3a: {  	_ = 	snop  }
0x3b: {  	_ = 	snop  }
0x3c: {  	p2 =	seq.s32 s10, $0x1;
	s10 =	sld [smem:$0x3FB7]  }
0x3d: {  	_ =	shalt  }
0x3e: {  	_ =	shalt  }
0x3f: {  	_ =	shalt  }
0x40: {  	_ =	shalt  }
0x41: {  	_ =	shalt  }
0x42: {  	_ =	shalt  }
0x43: {  	_ =	shalt  }
0x44: {  	_ =	shalt  }
0x45: {  	_ =	shalt  }
0x46: {  	_ =	shalt  }
0x47: {  	_ =	shalt  }
0x48: {  	_ =	shalt  }
0x49: {  	_ =	shalt  }
0x4a: {  	_ =	shalt  }
0x4b: {  	_ =	shalt  }
0x4c: {  	_ =	shalt  }
0x4d: {  	_ =	shalt  }
0x4e: {  	_ =	shalt  }
0x4f: {  	_ =	shalt  }
0x50: {  	_ =	shalt  }
0x51: {  	_ =	shalt  }
0x52: {  	_ =	shalt  }
0x53: {  	_ =	shalt  }
0x54: {  	_ =	shalt  }
0x55: {  	_ =	shalt  }
0x56: {  	_ =	shalt  }
0x57: {  	_ =	shalt  }
0x58: {  	_ =	shalt  }
0x59: {  	_ =	shalt  }
0x5a: {  	_ =	shalt  }
0x5b: {  	_ =	shalt  }
0x5c: {  	_ =	shalt  }
0x5d: {  	_ =	shalt  }
0x5e: {  	_ =	shalt  }
0x5f: {  	_ =	shalt  }
0x60: {  	_ =	shalt  }
0x61: {  	_ =	shalt  }
0x62: {  	_ =	shalt  }
0x63: {  	_ =	shalt  }
0x64: {  	_ =	shalt  }
0x65: {  	_ =	shalt  }
0x66: {  	_ =	shalt  }
0x67: {  	_ =	shalt  }
0x68: {  	_ =	shalt  }
0x69: {  	_ =	shalt  }
0x6a: {  	_ =	shalt  }
0x6b: {  	_ =	shalt  }
0x6c: {  	_ =	shalt  }
0x6d: {  	_ =	shalt  }
0x6e: {  	_ =	shalt  }
0x6f: {  	_ =	shalt  }
0x70: {  	_ =	shalt  }
0x71: {  	_ =	shalt  }
0x72: {  	_ =	shalt  }
0x73: {  	_ =	shalt  }
0x74: {  	_ =	shalt  }
0x75: {  	_ =	shalt  }
0x76: {  	_ =	shalt  }
0x77: {  	_ =	shalt  }
0x78: {  	_ =	shalt  }
0x79: {  	_ =	shalt  }
0x7a: {  	_ =	shalt  }
0x7b: {  	_ =	shalt  }
0x7c: {  	_ =	shalt  }
0x7d: {  	_ =	shalt  }
0x7e: {  	_ =	shalt  }
0x7f: {  	_ =	shalt  }
0x80: {  	_ =	shalt  }
0x81: {  	_ =	shalt  }
0x82: {  	_ =	shalt  }
0x83: {  	_ =	shalt  }
0x84: {  	_ =	shalt  }
0x85: {  	_ =	shalt  }
0x86: {  	_ =	shalt  }
0x87: {  	_ =	shalt  }
.Lfunc_end0:
.L_simem_size_0:
called_computation_lowered:
.L_overlay_start_0:
0x88: {  	s2 =	sld [smem:$0x3FD9]  }
0x89: {  	s3 =	sld [smem:$0x3FFE];
	_ =	sdelay $0x1  }
0x8a: {  	s1 =	srdreg.scid  }
0x8b: {  	s0 =	sand.u32 $0x1, s1  }
0x8c: {  	s17 =	sshll.u32 s0, $0xA;
	s2 =	sadd.s32 s3, s2  }
0x8d: {  	s2 =	sadd.s32 s2, s17  }
0x8e: {  	[smem:$0x3FC3] =	sst s2  }
0x8f: {  	_ = 	snop  }
0x90: {  	s2 =	sld [smem:$0x3FD0];
	(tm) =	ssettm $0x1  }
0x91: {  	s18 =	sld [smem:$0x3FFB];
	_ =	sdelay $0x3  }
0x92: {  	_ =	strace s18  }
0x93: {  	s3 =	sld [smem:$0x3FFC];
	_ =	sdelay $0x3  }
0x94: {  	_ =	strace s3  }
0x95: {  	s3 =	sld [smem:$0x3FFD];
	_ =	sdelay $0x3  }
0x96: {  	_ =	strace s3  }
0x97: {  	_ =	strace $0x8FFFFFFF  }
0x98: {  	s19 =	sld [smem:$0x3FDB];
	_ =	sdelay $0x1  }
0x99: {  	s4 =	simm.s32 $_scs_section_size  }
0x9a: {  	s5 =	simm.s32 $_size__tile_overlayer_lowered;
	s6 =	simm.s32 $_tile_overlayer_lowered  }
0x9b: {  	s22 =	simm.s32 $0x1BFF;
	s21 =	sshll.u32 s6, $0x1;
	s3 =	sadd.s32 s4, s19  }
0x9c: {  	s7 =	simm.s32 $0x0;
	s20 =	sshll.u32 s5, $0x1;
	s5 =	sadd.s32 s21, s3  }
0x9d: {  	[timem:s7], [sflag:s22] =	dma.local [hbm:s5], s20  }
0x9e: {  	_ =	swait.ge [sflag:s22], s20  }
0x9f: {  	s4 =	ssub.s32 $0x0, s20;
	[sflag:s22] =	ssyncset.done $0x0  }
0xa0: {  	[sflag:s22] =	ssyncadd.s32 s4;
	_ =	sdelay $0x1  }
0xa1: {  	s23 =	simm.s32 $0x1B8B  }
0xa2: {  	_ =	swait.ge [sflag:s23], $0x1  }
0xa3: {  	[sflag:s23] =	ssyncset.done $0x0  }
0xa4: {  	s25 =	simm.s32 $0x1B8E;
	s24 =	sld [smem:$0x3FFE];
	[sflag:s23] =	ssyncadd.s32 $0xFFFFFFFF  }
0xa5: {  	s26 =	simm.s32 $execute0_lowered;
	[smem:$0x3FD2] =	sst s25  }
0xa6: {  	s5 =	sshll.u32 s26, $0x1;
	_ =	strace $0x80000046;
	[dreg:$0x1] =	wrdreg $0xFFFFFFFF  }
0xa7: {  	s28 =	simm.s32 $_size_execute0_lowered;
	s3 =	sadd.s32 s3, s5;
	[dreg:$0x0] =	wrdreg $0x0  }
0xa8: {  	s5 =	sshll.u32 s28, $0x1;
	[dreg:$0x2] =	wrdreg s3  }
0xa9: {  	[dreg:$0x3] =	wrdreg s5  }
0xaa: {  	[dreg:$0x4] =	wrdreg $0xC0  }
0xab: {  	_ =	task [dreg:s7], $0x5FFFF  }
0xac: {  	[dreg:$0x1] =	wrdreg $0xFFFFFFFF  }
0xad: {  	[dreg:$0x0] =	wrdreg $0x60  }
0xae: {  	[dreg:$0x2] =	wrdreg s2  }
0xaf: {  	[dreg:$0x3] =	wrdreg s24  }
0xb0: {  	[dreg:$0x4] =	wrdreg $0x9  }
0xb1: {  	_ =	task.clear_ibuf [dreg:s7], $0x5FFFF;
	_ =	strace $0x90000046  }
0xb2: {  	s29 =	simm.s32 $0x9;
	_ =	strace $0x80000048  }
0xb3: {  	_ =	swait.ge [sflag:s29], $0x1  }
0xb4: {  	[sflag:s29] =	ssyncadd.s32 $0xFFFFFFFF  }
0xb5: {  	_ =	strace $0x90000048  }
0xb6: {  	_ =	sfence  }
0xb7: {  	s30 =	sld [smem:$0x0];
	_ =	sdelay $0x2  }
0xb8: {  	s31 =	sshll.u32 s1, $0xD;
	s1 =	sshrl.u32 s1, $0x2  }
0xb9: {  	s3 =	sand.u32 $0x4000, s31;
	s1 =	sadd.s32 s1, s30  }
0xba: {  	s0 =	sor.u32 s3, s0;
	s1 =	sshll.u32 s1, $0x11  }
0xbb: {  	s0 =	sor.u32 s1, s0  }
0xbc: {  	s0 =	sadd.s32 $0x8F2B, s0  }
0xbd: {  	[sflag:s0] =	ssyncadd.remote.s32 $0x1  }
0xbe: {  	_ =	sfence.sel $0xFFFF  }
0xbf: {  	[dreg:$0x0] =	wrdreg $0xFFFFFFFF;
	(pc) =	sbr.abs _section_cstart, $3  }
0xc0: {  	[dreg:$0x1] =	wrdreg $0xFFFFFFFF  }
0xc1: {  	_ =	task.clear_ibuf [dreg:s7], $0x2FFFF;
	_ =	strace $0x9FFFFFFF  }
0xc2: {  	(tm) =	ssettm $0x7FFFFFFF  }
0xc3: {  	_ =	shalt  }
tec
execute0_lowered:
.L_overlay_start_1:
0x0: {  	(tag) =	ssettag $0x1  }
0x1: {  	s6 =	rddreg [dreg:$0x0]  }
0x2: {  	s7 =	rddreg [dreg:$0x1];
	s2 =	srdreg.scid  }
0x3: {  	s0 =	rddreg [dreg:$0x2];
	s1 =	stileid.u32;
	s11 =	simm.s32 $0x1  }
0x4: {  	s12 =	simm.s32 $0x900;
	s13 =	simm.s32 $0x1100;
	s14 =	simm.s32 $0x1900  }
0x5: {  	s15 =	simm.s32 $0x2100;
	s16 =	simm.s32 $0x2900;
	s17 =	simm.s32 $0x3100  }
0x6: {  	s18 =	simm.s32 $0x3900;
	s19 =	simm.s32 $0x4100;
	s20 =	simm.s32 $0x4900  }
0x7: {  	s21 =	simm.s32 $0x5100;
	s22 =	simm.s32 $0x5900;
	s23 =	simm.s32 $0x6100  }
0x8: {  	s24 =	simm.s32 $0x6900;
	s25 =	simm.s32 $0x7100;
	s26 =	simm.s32 $0x7900  }
0x9: {  	s3 =	sand.u32 $0x1, s2;
	s2 =	simm.s32 $0x0;
	s4 =	sshll.u32 s1, $0x7  }
0xa: {  	s5 =	sshll.u32 s3, $0x6;
	[smem:$0x7FF] =	sst s2;
	s29 =	ssub.s32 $0x2, s3  }
0xb: {  	s3 =	sadd.s32 $0x1000, s7;
	s8 =	sor.u32 s5, s4;
	_ =	strace $0x80000047  }
0xc: {  	s31 =	sshrl.u32 s29, $0x1;
	s30 =	sshrl.u32 s8, $0x3;
	s8 =	sshll.u32 s8, $0x6  }
0xd: {  	v2 =	vlaneseq.u32;
	s10 =	ssub.s32 s29, s31;
	s9 =	sadd.s32 s30, s7;
	s6 =	sadd.s32 s6, s8  }
0xe: {  	vm0 =	vmmov $0xffff;
	v1 =	vshrl.u32 v2, $0x3;
	s7 =	sadd.s32 $0x1100, s7;
	s8 =	smax.u32 s10, $0x1;
	s10 =	simm.s32 $0x100  }
0xf: {  	v0 =	vand.u32 $0x7, v2;
	v2 =	vor.u32 $0x8, v2;
	v1 =	vmul.u32 $0x8, v1;
	s4 =	sadd.s32 $0xC00, s9;
	s5 =	sadd.s32 $0xE00, s9;
	s9 =	simm.s32 $0x80  }
.LBB2_1:
0x10: {  	[tilespmem:s2], [sflag:$0x1] =	stream.linear.gather [hbm4b:s4+s2], $0x40, $0x38;
	[tilespmem:$0x8100] =	vst v63  }
0x11: {  	_ = 	snop  }
0x12: {  	[tilespmem:s9], [sflag:$0x1] =	stream.linear.gather [hbm4b:s5+s2], $0x40, $0x38;
	[tilespmem:$0x8100] =	vst v63  }
0x13: {  	_ = 	snop  }
0x14: {  	[tilespmem:s10], [sflag:$0x1] =	stream.linear.gather [hbm4b:s6+s2], $0x8000, $0x38;
	[tilespmem:$0x8100] =	vst v63  }
0x15: {  	_ =	swait.ge [sflag:s11], $0x40  }
0x16: {  	[sflag:s11] =	ssyncset.done $0x0  }
0x17: {  	[sflag:s11] =	ssyncadd.s32 $0xFFFFFFC0  }
0x18: {  	_ =	swait.ge [sflag:s11], $0x40  }
0x19: {  	[sflag:s11] =	ssyncset.done $0x0  }
0x1a: {  	[sflag:s11] =	ssyncadd.s32 $0xFFFFFFC0  }
0x1b: {  	_ =	swait.ge [sflag:s11], $0x8000  }
0x1c: {  	[sflag:s11] =	ssyncset.done $0x0  }
0x1d: {  	[sflag:s11] =	ssyncadd.s32 $0xFFFF8000  }
0x1e: {  	v3 =	vld [tilespmem:$0x0];
	_ =	sdelay $0x4  }
0x1f: {  	v4 =	vshll.u32 v3, $0x2  }
0x20: {  	v3 =	vand.u32 $0x7, v3;
	v4 =	vand.u32 $0xFFFFFFE0, v4  }
0x21: {  	v3 =	vor.u32 v3, v4  }
0x22: {  	v4 =	vperm.xlane v3, v0;
	_ =	sdelay $0x1  }
0x23: {  	v4 =	vadd.s32 v1, v4;
	_ =	sdelay $0x1  }
0x24: {  	v3 =	vperm.xlane v3, v2;
	_ =	sdelay $0x1  }
0x25: {  	v3 =	vadd.s32 v1, v3  }
0x26: {  	[hbm4b:s3+s2] =	stream.indirect_vreg.scatter [tilespmem:s10], [sflag:$0x1], $0x80, v4, vm0, $0xb8;
	[tilespmem:$0x8100] =	vst v63  }
0x27: {  	_ = 	snop  }
0x28: {  	[hbm4b:s7+s2] =	stream.indirect_vreg.scatter [tilespmem:s12], [sflag:$0x1], $0x80, v4, vm0, $0xb8;
	[tilespmem:$0x8100] =	vst v63  }
0x29: {  	_ = 	snop  }
0x2a: {  	[hbm4b:s3+s2] =	stream.indirect_vreg.scatter [tilespmem:s13], [sflag:$0x1], $0x80, v3, vm0, $0xb8;
	[tilespmem:$0x8100] =	vst v63  }
0x2b: {  	_ = 	snop  }
0x2c: {  	[hbm4b:s7+s2] =	stream.indirect_vreg.scatter [tilespmem:s14], [sflag:$0x1], $0x80, v3, vm0, $0xb8;
	[tilespmem:$0x8100] =	vst v63  }
0x2d: {  	v3 =	vld [tilespmem:$0x10];
	_ =	sdelay $0x4  }
0x2e: {  	v57 =	vshll.u32 v3, $0x2  }
0x2f: {  	v3 =	vand.u32 $0x7, v3;
	v4 =	vand.u32 $0xFFFFFFE0, v57  }
0x30: {  	v3 =	vor.u32 v3, v4  }
0x31: {  	v4 =	vperm.xlane v3, v0;
	_ =	sdelay $0x1  }
0x32: {  	v4 =	vadd.s32 v1, v4;
	_ =	sdelay $0x1  }
0x33: {  	v3 =	vperm.xlane v3, v2;
	_ =	sdelay $0x1  }
0x34: {  	v3 =	vadd.s32 v1, v3  }
0x35: {  	[hbm4b:s3+s2] =	stream.indirect_vreg.scatter [tilespmem:s15], [sflag:$0x1], $0x80, v4, vm0, $0xb8;
	[tilespmem:$0x8100] =	vst v63  }
0x36: {  	_ = 	snop  }
0x37: {  	[hbm4b:s7+s2] =	stream.indirect_vreg.scatter [tilespmem:s16], [sflag:$0x1], $0x80, v4, vm0, $0xb8;
	[tilespmem:$0x8100] =	vst v63  }
0x38: {  	_ = 	snop  }
0x39: {  	[hbm4b:s3+s2] =	stream.indirect_vreg.scatter [tilespmem:s17], [sflag:$0x1], $0x80, v3, vm0, $0xb8;
	[tilespmem:$0x8100] =	vst v63  }
0x3a: {  	_ = 	snop  }
0x3b: {  	[hbm4b:s7+s2] =	stream.indirect_vreg.scatter [tilespmem:s18], [sflag:$0x1], $0x80, v3, vm0, $0xb8;
	[tilespmem:$0x8100] =	vst v63  }
0x3c: {  	v3 =	vld [tilespmem:$0x20];
	_ =	sdelay $0x4  }
0x3d: {  	v58 =	vshll.u32 v3, $0x2  }
0x3e: {  	v3 =	vand.u32 $0x7, v3;
	v4 =	vand.u32 $0xFFFFFFE0, v58  }
0x3f: {  	v3 =	vor.u32 v3, v4  }
0x40: {  	v4 =	vperm.xlane v3, v0;
	_ =	sdelay $0x1  }
0x41: {  	v4 =	vadd.s32 v1, v4;
	_ =	sdelay $0x1  }
0x42: {  	v3 =	vperm.xlane v3, v2;
	_ =	sdelay $0x1  }
0x43: {  	v3 =	vadd.s32 v1, v3  }
0x44: {  	[hbm4b:s3+s2] =	stream.indirect_vreg.scatter [tilespmem:s19], [sflag:$0x1], $0x80, v4, vm0, $0xb8;
	[tilespmem:$0x8100] =	vst v63  }
0x45: {  	_ = 	snop  }
0x46: {  	[hbm4b:s7+s2] =	stream.indirect_vreg.scatter [tilespmem:s20], [sflag:$0x1], $0x80, v4, vm0, $0xb8;
	[tilespmem:$0x8100] =	vst v63  }
0x47: {  	_ = 	snop  }
0x48: {  	[hbm4b:s3+s2] =	stream.indirect_vreg.scatter [tilespmem:s21], [sflag:$0x1], $0x80, v3, vm0, $0xb8;
	[tilespmem:$0x8100] =	vst v63  }
0x49: {  	_ = 	snop  }
0x4a: {  	[hbm4b:s7+s2] =	stream.indirect_vreg.scatter [tilespmem:s22], [sflag:$0x1], $0x80, v3, vm0, $0xb8;
	[tilespmem:$0x8100] =	vst v63  }
0x4b: {  	v3 =	vld [tilespmem:$0x30];
	_ =	sdelay $0x4  }
0x4c: {  	v59 =	vshll.u32 v3, $0x2  }
0x4d: {  	v3 =	vand.u32 $0x7, v3;
	v4 =	vand.u32 $0xFFFFFFE0, v59  }
0x4e: {  	v3 =	vor.u32 v3, v4  }
0x4f: {  	v4 =	vperm.xlane v3, v0;
	_ =	sdelay $0x1  }
0x50: {  	v4 =	vadd.s32 v1, v4;
	_ =	sdelay $0x1  }
0x51: {  	v3 =	vperm.xlane v3, v2;
	_ =	sdelay $0x1  }
0x52: {  	v3 =	vadd.s32 v1, v3  }
0x53: {  	[hbm4b:s3+s2] =	stream.indirect_vreg.scatter [tilespmem:s23], [sflag:$0x1], $0x80, v4, vm0, $0xb8;
	[tilespmem:$0x8100] =	vst v63  }
0x54: {  	_ = 	snop  }
0x55: {  	[hbm4b:s7+s2] =	stream.indirect_vreg.scatter [tilespmem:s24], [sflag:$0x1], $0x80, v4, vm0, $0xb8;
	[tilespmem:$0x8100] =	vst v63  }
0x56: {  	_ = 	snop  }
0x57: {  	[hbm4b:s3+s2] =	stream.indirect_vreg.scatter [tilespmem:s25], [sflag:$0x1], $0x80, v3, vm0, $0xb8;
	[tilespmem:$0x8100] =	vst v63  }
0x58: {  	_ = 	snop  }
0x59: {  	[hbm4b:s7+s2] =	stream.indirect_vreg.scatter [tilespmem:s26], [sflag:$0x1], $0x80, v3, vm0, $0xb8;
	[tilespmem:$0x8100] =	vst v63  }
0x5a: {  	v3 =	vld [tilespmem:$0x80];
	_ =	sdelay $0x4  }
0x5b: {  	v60 =	vshll.u32 v3, $0x2  }
0x5c: {  	v3 =	vand.u32 $0x7, v3;
	v4 =	vand.u32 $0xFFFFFFE0, v60  }
0x5d: {  	v3 =	vor.u32 v3, v4  }
0x5e: {  	v4 =	vperm.xlane v3, v0;
	_ =	sdelay $0x1  }
0x5f: {  	v4 =	vadd.s32 v1, v4;
	_ =	sdelay $0x1  }
0x60: {  	v3 =	vperm.xlane v3, v2;
	_ =	sdelay $0x1  }
0x61: {  	v3 =	vadd.s32 v1, v3  }
0x62: {  	[hbm4b:s3+s2] =	stream.indirect_vreg.scatter [tilespmem:s10], [sflag:$0x1], $0x80, v4, vm0, $0xb8;
	[tilespmem:$0x8100] =	vst v63  }
0x63: {  	_ = 	snop  }
0x64: {  	[hbm4b:s7+s2] =	stream.indirect_vreg.scatter [tilespmem:s12], [sflag:$0x1], $0x80, v4, vm0, $0xb8;
	[tilespmem:$0x8100] =	vst v63  }
0x65: {  	_ = 	snop  }
0x66: {  	[hbm4b:s3+s2] =	stream.indirect_vreg.scatter [tilespmem:s13], [sflag:$0x1], $0x80, v3, vm0, $0xb8;
	[tilespmem:$0x8100] =	vst v63  }
0x67: {  	_ = 	snop  }
0x68: {  	[hbm4b:s7+s2] =	stream.indirect_vreg.scatter [tilespmem:s14], [sflag:$0x1], $0x80, v3, vm0, $0xb8;
	[tilespmem:$0x8100] =	vst v63  }
0x69: {  	v3 =	vld [tilespmem:$0x90];
	_ =	sdelay $0x4  }
0x6a: {  	v61 =	vshll.u32 v3, $0x2  }
0x6b: {  	v3 =	vand.u32 $0x7, v3;
	v4 =	vand.u32 $0xFFFFFFE0, v61  }
0x6c: {  	v3 =	vor.u32 v3, v4  }
0x6d: {  	v4 =	vperm.xlane v3, v0;
	_ =	sdelay $0x1  }
0x6e: {  	v4 =	vadd.s32 v1, v4;
	_ =	sdelay $0x1  }
0x6f: {  	v3 =	vperm.xlane v3, v2;
	_ =	sdelay $0x1  }
0x70: {  	v3 =	vadd.s32 v1, v3  }
0x71: {  	[hbm4b:s3+s2] =	stream.indirect_vreg.scatter [tilespmem:s15], [sflag:$0x1], $0x80, v4, vm0, $0xb8;
	[tilespmem:$0x8100] =	vst v63  }
0x72: {  	_ = 	snop  }
0x73: {  	[hbm4b:s7+s2] =	stream.indirect_vreg.scatter [tilespmem:s16], [sflag:$0x1], $0x80, v4, vm0, $0xb8;
	[tilespmem:$0x8100] =	vst v63  }
0x74: {  	_ = 	snop  }
0x75: {  	[hbm4b:s3+s2] =	stream.indirect_vreg.scatter [tilespmem:s17], [sflag:$0x1], $0x80, v3, vm0, $0xb8;
	[tilespmem:$0x8100] =	vst v63  }
0x76: {  	_ = 	snop  }
0x77: {  	[hbm4b:s7+s2] =	stream.indirect_vreg.scatter [tilespmem:s18], [sflag:$0x1], $0x80, v3, vm0, $0xb8;
	[tilespmem:$0x8100] =	vst v63  }
0x78: {  	v3 =	vld [tilespmem:$0xA0];
	_ =	sdelay $0x4  }
0x79: {  	v62 =	vshll.u32 v3, $0x2  }
0x7a: {  	v3 =	vand.u32 $0x7, v3;
	v4 =	vand.u32 $0xFFFFFFE0, v62  }
0x7b: {  	v3 =	vor.u32 v3, v4  }
0x7c: {  	v4 =	vperm.xlane v3, v0;
	_ =	sdelay $0x1  }
0x7d: {  	v4 =	vadd.s32 v1, v4;
	_ =	sdelay $0x1  }
0x7e: {  	v3 =	vperm.xlane v3, v2;
	_ =	sdelay $0x1  }
0x7f: {  	v3 =	vadd.s32 v1, v3  }
0x80: {  	[hbm4b:s3+s2] =	stream.indirect_vreg.scatter [tilespmem:s19], [sflag:$0x1], $0x80, v4, vm0, $0xb8;
	[tilespmem:$0x8100] =	vst v63  }
0x81: {  	_ = 	snop  }
0x82: {  	[hbm4b:s7+s2] =	stream.indirect_vreg.scatter [tilespmem:s20], [sflag:$0x1], $0x80, v4, vm0, $0xb8;
	[tilespmem:$0x8100] =	vst v63  }
0x83: {  	_ = 	snop  }
0x84: {  	[hbm4b:s3+s2] =	stream.indirect_vreg.scatter [tilespmem:s21], [sflag:$0x1], $0x80, v3, vm0, $0xb8;
	[tilespmem:$0x8100] =	vst v63  }
0x85: {  	_ = 	snop  }
0x86: {  	[hbm4b:s7+s2] =	stream.indirect_vreg.scatter [tilespmem:s22], [sflag:$0x1], $0x80, v3, vm0, $0xb8;
	[tilespmem:$0x8100] =	vst v63  }
0x87: {  	v3 =	vld [tilespmem:$0xB0];
	_ =	sdelay $0x4  }
0x88: {  	v63 =	vshll.u32 v3, $0x2  }
0x89: {  	v3 =	vand.u32 $0x7, v3;
	v4 =	vand.u32 $0xFFFFFFE0, v63  }
0x8a: {  	v3 =	vor.u32 v3, v4  }
0x8b: {  	v4 =	vperm.xlane v3, v0;
	_ =	sdelay $0x1  }
0x8c: {  	v4 =	vadd.s32 v1, v4;
	_ =	sdelay $0x1  }
0x8d: {  	v3 =	vperm.xlane v3, v2;
	_ =	sdelay $0x1  }
0x8e: {  	v3 =	vadd.s32 v1, v3  }
0x8f: {  	[hbm4b:s3+s2] =	stream.indirect_vreg.scatter [tilespmem:s23], [sflag:$0x1], $0x80, v4, vm0, $0xb8;
	[tilespmem:$0x8100] =	vst v63  }
0x90: {  	_ = 	snop  }
0x91: {  	[hbm4b:s7+s2] =	stream.indirect_vreg.scatter [tilespmem:s24], [sflag:$0x1], $0x80, v4, vm0, $0xb8;
	[tilespmem:$0x8100] =	vst v63  }
0x92: {  	_ = 	snop  }
0x93: {  	[hbm4b:s3+s2] =	stream.indirect_vreg.scatter [tilespmem:s25], [sflag:$0x1], $0x80, v3, vm0, $0xb8;
	[tilespmem:$0x8100] =	vst v63  }
0x94: {  	_ = 	snop  }
0x95: {  	[hbm4b:s7+s2] =	stream.indirect_vreg.scatter [tilespmem:s26], [sflag:$0x1], $0x80, v3, vm0, $0xb8;
	[tilespmem:$0x8100] =	vst v63  }
0x96: {  	p0 =	sne.s32 s8, $0x1;
	_ =	swait.ge [sflag:s11], $0x8000  }
.Ltmp0:
0x97: {  	[sflag:s11] =	ssyncset.done $0x0;
	(pc) =	sbr.rel @p0 .LBB2_1-.Ltmp0, $4  }
0x98: {  	[sflag:s11] =	ssyncadd.s32 $0xFFFF8000  }
0x99: {  	_ =	swait.ge [sflag:s11], $0x8000  }
0x9a: {  	[sflag:s11] =	ssyncset.done $0x0  }
0x9b: {  	s8 =	sadd.s32 $0xFFFFFFFF, s8;
	[sflag:s11] =	ssyncadd.s32 $0xFFFF8000  }
0x9c: {  	_ =	sfence.sel $0x180000  }
0x9d: {  	[bflag:$0x0] =	sbarrier.arrive $0xFFFF  }
0x9e: {  	p0 =	sne.s32 s1, $0x0;
	_ =	strace $0x90000047  }
0x9f: {  	s0 =	sadd.s32 @!p0 $0x100000, s0;
	[bflag:$0x2] =	sbarrier.arrive $0xFFFF  }
0xa0: {  	[sflag:s0] =	ssyncadd.tile.s32 @!p0 $0x1;
	_ =	shalt  }
.Lfunc_end2:
_tile_overlayer_lowered:
.L_overlay_start_2:
0xa1: {  	(tag) =	ssettag $0x2  }
0xa2: {  	s0 =	rddreg [dreg:$0x0];
	s2 =	stileid.u32  }
0xa3: {  	s1 =	rddreg [dreg:$0x1];
	p0 =	sne.s32 s2, $0x0  }
0xa4: {  	s3 =	rddreg [dreg:$0x2];
	[bflag:$0x3] =	sbarrier.arrive $0xFFFF;
	s2 =	simm.s32 @!p0 $0x1C02  }
0xa5: {  	[timem:s3], [sflag:s2] =	dma.local @!p0 [hbm:s0], s1  }
0xa6: {  	s0 =	simm.s32 @!p0 $0x2  }
0xa7: {  	_ =	swait.ge @!p0 [sflag:s0], s1  }
0xa8: {  	s1 =	ssub.s32 @!p0 $0x0, s1;
	[sflag:s0] =	ssyncset.done @!p0 $0x0  }
0xa9: {  	[sflag:s0] =	ssyncadd.s32 @!p0 s1  }
0xaa: {  	[bflag:$0x3] =	sbarrier.arrive $0xFFFF  }
0xab: {  	_ =	shalt  }

</sc_bundles>
